<compile_context>
chip_gen: v7x
topology: tpu7x:2x2x1
jax: 0.10.2.dev20260603
libtpu: 0.0.44.dev20260713+nightly
codegen_flags: <defaults>
</compile_context>

<pallas_src>
import functools

import jax
import jax.numpy as jnp
from jax import lax
from jax.experimental import pallas as pl
from jax.experimental.pallas import tpu as pltpu
from jax.experimental.pallas import tpu_sc as plsc

NBUF = 8
CW = 128


def _build(B, T, D, vocab):
    info = plsc.get_sparse_core_info()
    NC, NS = info.num_cores, info.num_subcores
    NW = NC * NS
    BT = B * T
    assert BT % (NW * CW) == 0
    rows_w = BT // NW
    n_chunks = rows_w // CW
    assert rows_w % T == 0
    assert (CW % 8 == 0) and (T % 8 == 0)
    assert n_chunks % NBUF == 0
    PT = T + CW + 8

    mesh = plsc.VectorSubcoreMesh(core_axis_name="c", subcore_axis_name="s")

    @functools.partial(
        pl.kernel,
        out_type=jax.ShapeDtypeStruct((BT, 128), jnp.float32),
        mesh=mesh,
        compiler_params=pltpu.CompilerParams(use_tc_tiling_on_sc=False),
        scratch_types=(
            [pltpu.VMEM((n_chunks, CW), jnp.int32)]
            + [pltpu.VMEM_SHARED((PT, D), jnp.float32)]
            + [pltpu.VMEM((CW, D), jnp.float32)] * NBUF
            + [pltpu.SemaphoreType.DMA] * (3 * NBUF)
        ),
    )
    def enc(obs_hbm, embed_hbm, pos_hbm, out_hbm, idx_v, pos_sh, *rest):
        bufs = rest[:NBUF]
        ssem = rest[NBUF:2 * NBUF]
        gsem = rest[2 * NBUF:3 * NBUF]
        osem = rest[3 * NBUF:4 * NBUF]
        sid = lax.axis_index("s")
        wid = sid * NC + lax.axis_index("c")
        base = wid * rows_w
        pltpu.sync_copy(obs_hbm.at[wid], idx_v)
        @pl.when(sid == 0)
        def _():
            pltpu.sync_copy(pos_hbm, pos_sh)
        plsc.subcore_barrier()

        def seed(s, b):
            off = (s * CW) % T
            pltpu.async_copy(pos_sh.at[pl.ds(off, CW)], bufs[b], ssem[b])

        for p in range(5):
            seed(p, p)

        def gwait(b):
            pltpu.make_async_copy(embed_hbm.at[idx_v.at[0]], bufs[b],
                                  gsem[b]).wait()

        def store(s, b):
            pltpu.async_copy(
                bufs[b],
                out_hbm.at[pl.ds(base + s * CW, CW), pl.ds(0, D)], osem[b])

        def owait(b):
            pltpu.make_async_copy(
                bufs[b], out_hbm.at[pl.ds(base, CW), pl.ds(0, D)],
                osem[b]).wait()

        def visit(s, b):
            pltpu.make_async_copy(pos_sh.at[pl.ds(0, CW)], bufs[b],
                                  ssem[b]).wait()
            pltpu.async_copy(embed_hbm.at[idx_v.at[s]], bufs[b],
                             gsem[b], add=True)
            bp = (b + NBUF - 2) % NBUF
            @pl.when(s >= 2)
            def _():
                gwait(bp)
                store(s - 2, bp)
            b5 = (b + 5) % NBUF
            @pl.when(s + 5 < n_chunks)
            def _():
                @pl.when(s >= 3)
                def _():
                    owait(b5)
                seed(s + 5, b5)

        def body(g, carry):
            for b in range(NBUF):
                visit(NBUF * g + b, b)
            return carry

        lax.fori_loop(0, n_chunks // NBUF, body, 0)
        for s in (n_chunks - 2, n_chunks - 1):
            bl = s % NBUF
            gwait(bl)
            store(s, bl)
        for b in range(NBUF):
            owait(b)

    return enc


def kernel(obs, embed, pos_embed):
    B, T = obs.shape
    vocab, D = embed.shape
    enc = _build(B, T, D, vocab)
    info = plsc.get_sparse_core_info()
    NW = info.num_cores * info.num_subcores
    obs_i = obs.astype(jnp.int32).reshape(NW, (B * T) // (NW * CW), CW)
    pos_t = pos_embed[:T]
    pos_w = jnp.concatenate([pos_t, pos_t[:CW + 8]], axis=0)
    out = enc(obs_i, embed, pos_w)
    return out[:, :D].reshape(B, T, D)

# --- scband reference (transcript-rebuilt; emitter-appended) ---
"""Pipeline reference for scband-observation-encoder-58256936403469 (READ-ONLY COPY).

The authoritative reference and input builder live on the scoring server;
editing this copy changes nothing except your own understanding.
"""

import jax, jax.numpy as jnp
import numpy as np

VOCAB = 100000
D_MODEL = 64
MAX_SEQ_LEN = 1024
B = 4096
T = 200

def setup_inputs(seed: int = 0) -> dict:
    key = jax.random.key(seed)
    k1, k2, k3 = jax.random.split(key, 3)
    obs = jax.random.randint(k1, (B, T), 0, VOCAB, dtype=jnp.int64)
    embed = jax.random.normal(k2, (VOCAB, D_MODEL), dtype=jnp.float32) * 0.02
    pos_embed = jax.random.normal(k3, (MAX_SEQ_LEN, D_MODEL), dtype=jnp.float32) * 0.02
    return {"obs": obs, "embed": embed, "pos_embed": pos_embed}

def reference(obs, embed, pos_embed):
    # sequential path of ObservationEncoder:
    #   pos = arange(T) broadcast to [B, T]
    #   out = embed[obs] + pos_embed[pos]
    Bq, Tq = obs.shape
    tok = jnp.take(embed, obs, axis=0)              # [B, T, d_model] gather
    pos = jnp.arange(Tq)
    pos_e = jnp.take(pos_embed, pos, axis=0)        # [T, d_model]
    return tok + pos_e[None, :, :]

if __name__ == "__main__":
    import jax
    _d = setup_inputs()
    print(jax.jit(kernel)(*tuple(_d.values())))

</pallas_src>

<mosaic_0001>
#map = affine_map<(d0, d1) -> (0, 0, 0)>
#map1 = affine_map<(d0, d1) -> (0, 0)>
module attributes {stable_mosaic.version = 14 : i64} {
  func.func @enc(%arg0: i32, %arg1: i32, %arg2: memref<32x200x128xi32, #tpu.memory_space<hbm>>, %arg3: memref<100000x64xf32, #tpu.memory_space<hbm>>, %arg4: memref<336x64xf32, #tpu.memory_space<hbm>>, %arg5: memref<819200x128xf32, #tpu.memory_space<hbm>>, %arg6: memref<200x128xi32, #tpu.memory_space<vmem>>, %arg7: memref<336x64xf32, #tpu.memory_space<vmem_shared>>, %arg8: memref<128x64xf32, #tpu.memory_space<vmem>>, %arg9: memref<128x64xf32, #tpu.memory_space<vmem>>, %arg10: memref<128x64xf32, #tpu.memory_space<vmem>>, %arg11: memref<128x64xf32, #tpu.memory_space<vmem>>, %arg12: memref<128x64xf32, #tpu.memory_space<vmem>>, %arg13: memref<128x64xf32, #tpu.memory_space<vmem>>, %arg14: memref<128x64xf32, #tpu.memory_space<vmem>>, %arg15: memref<128x64xf32, #tpu.memory_space<vmem>>, %arg16: memref<!tpu.dma_semaphore, #tpu.memory_space<semaphore_mem>>, %arg17: memref<!tpu.dma_semaphore, #tpu.memory_space<semaphore_mem>>, %arg18: memref<!tpu.dma_semaphore, #tpu.memory_space<semaphore_mem>>, %arg19: memref<!tpu.dma_semaphore, #tpu.memory_space<semaphore_mem>>, %arg20: memref<!tpu.dma_semaphore, #tpu.memory_space<semaphore_mem>>, %arg21: memref<!tpu.dma_semaphore, #tpu.memory_space<semaphore_mem>>, %arg22: memref<!tpu.dma_semaphore, #tpu.memory_space<semaphore_mem>>, %arg23: memref<!tpu.dma_semaphore, #tpu.memory_space<semaphore_mem>>, %arg24: memref<!tpu.dma_semaphore, #tpu.memory_space<semaphore_mem>>, %arg25: memref<!tpu.dma_semaphore, #tpu.memory_space<semaphore_mem>>, %arg26: memref<!tpu.dma_semaphore, #tpu.memory_space<semaphore_mem>>, %arg27: memref<!tpu.dma_semaphore, #tpu.memory_space<semaphore_mem>>, %arg28: memref<!tpu.dma_semaphore, #tpu.memory_space<semaphore_mem>>, %arg29: memref<!tpu.dma_semaphore, #tpu.memory_space<semaphore_mem>>, %arg30: memref<!tpu.dma_semaphore, #tpu.memory_space<semaphore_mem>>, %arg31: memref<!tpu.dma_semaphore, #tpu.memory_space<semaphore_mem>>, %arg32: memref<!tpu.dma_semaphore, #tpu.memory_space<semaphore_mem>>, %arg33: memref<!tpu.dma_semaphore, #tpu.memory_space<semaphore_mem>>, %arg34: memref<!tpu.dma_semaphore, #tpu.memory_space<semaphore_mem>>, %arg35: memref<!tpu.dma_semaphore, #tpu.memory_space<semaphore_mem>>, %arg36: memref<!tpu.dma_semaphore, #tpu.memory_space<semaphore_mem>>, %arg37: memref<!tpu.dma_semaphore, #tpu.memory_space<semaphore_mem>>, %arg38: memref<!tpu.dma_semaphore, #tpu.memory_space<semaphore_mem>>, %arg39: memref<!tpu.dma_semaphore, #tpu.memory_space<semaphore_mem>>) attributes {dimension_semantics = [#tpu.dimension_semantics<core_parallel>, #tpu.dimension_semantics<subcore_parallel>], iteration_bounds = array<i64: 2, 16>, scalar_prefetch = 0 : i64, scratch_operands = 34 : i64, tpu.core_type = #tpu.core_type<sc_vector_subcore>, window_params = [{transform_indices = #map}, {transform_indices = #map1}, {transform_indices = #map1}, {transform_indices = #map1}]} {
    %mul3A = arith.constant 2 : i32
    %mul3A_0 = arith.muli %arg1, %mul3A : i32
    %add3A = arith.addi %mul3A_0, %arg0 : i32
    %mul3A_1 = arith.constant 25600 : i32
    %mul3A_2 = arith.muli %add3A, %mul3A_1 : i32
    "tpu.region"() ({
      %run_scoped3A = tpu.sem_alloc : memref<!tpu.dma_semaphore, #tpu.memory_space<semaphore_mem>>
      %dma_start3A_96 = arith.constant 0 : i32
      %dma_start3A_97 = arith.constant 0 : i32
      %dma_start3A_98 = tpu.memref_slice %arg2[%add3A, %dma_start3A_96, %dma_start3A_97] : memref<32x200x128xi32, #tpu.memory_space<hbm>> -> memref<1x200x128xi32, #tpu.memory_space<hbm>>
      %dma_start3A_99 = tpu.memref_squeeze %dma_start3A_98 : memref<1x200x128xi32, #tpu.memory_space<hbm>> -> memref<200x128xi32, #tpu.memory_space<hbm>>
      %dma_start3A_100 = arith.constant 0 : i32
      %dma_start3A_101 = arith.constant 0 : i32
      %dma_start3A_102 = tpu.memref_slice %arg2[%add3A, %dma_start3A_100, %dma_start3A_101] : memref<32x200x128xi32, #tpu.memory_space<hbm>> -> memref<1x200x128xi32, #tpu.memory_space<hbm>>
      %dma_start3A_103 = tpu.memref_squeeze %dma_start3A_102 : memref<1x200x128xi32, #tpu.memory_space<hbm>> -> memref<200x128xi32, #tpu.memory_space<hbm>>
      tpu.enqueue_dma source(%dma_start3A_103 : memref<200x128xi32, #tpu.memory_space<hbm>>) target(%arg6 : memref<200x128xi32, #tpu.memory_space<vmem>>) target_semaphore(%run_scoped3A : memref<!tpu.dma_semaphore, #tpu.memory_space<semaphore_mem>>)
      %dma_wait3A_104 = arith.constant 0 : i32
      %dma_wait3A_105 = arith.constant 0 : i32
      %dma_wait3A_106 = tpu.memref_slice %arg2[%add3A, %dma_wait3A_104, %dma_wait3A_105] : memref<32x200x128xi32, #tpu.memory_space<hbm>> -> memref<1x200x128xi32, #tpu.memory_space<hbm>>
      %dma_wait3A_107 = tpu.memref_squeeze %dma_wait3A_106 : memref<1x200x128xi32, #tpu.memory_space<hbm>> -> memref<200x128xi32, #tpu.memory_space<hbm>>
      %dma_wait3A_108 = arith.constant 0 : i32
      %dma_wait3A_109 = arith.constant 0 : i32
      %dma_wait3A_110 = tpu.memref_slice %arg2[%add3A, %dma_wait3A_108, %dma_wait3A_109] : memref<32x200x128xi32, #tpu.memory_space<hbm>> -> memref<1x200x128xi32, #tpu.memory_space<hbm>>
      %dma_wait3A_111 = tpu.memref_squeeze %dma_wait3A_110 : memref<1x200x128xi32, #tpu.memory_space<hbm>> -> memref<200x128xi32, #tpu.memory_space<hbm>>
      tpu.wait_dma2 semaphore(%run_scoped3A : memref<!tpu.dma_semaphore, #tpu.memory_space<semaphore_mem>>) src(%dma_wait3A_111 : memref<200x128xi32, #tpu.memory_space<hbm>>) dst(%arg6 : memref<200x128xi32, #tpu.memory_space<vmem>>)
      tpu.yield
    }) : () -> ()
    %eq3A = arith.constant 0 : i32
    %eq3A_3 = arith.cmpi eq, %arg1, %eq3A : i32
    %convert_element_type3A = arith.extui %eq3A_3 : i1 to i32
    %cond3A = arith.constant 0 : i32
    %cond3A_4 = arith.cmpi ne, %convert_element_type3A, %cond3A : i32
    scf.if %cond3A_4 {
      "tpu.region"() ({
        %run_scoped3A = tpu.sem_alloc : memref<!tpu.dma_semaphore, #tpu.memory_space<semaphore_mem>>
        tpu.enqueue_dma source(%arg4 : memref<336x64xf32, #tpu.memory_space<hbm>>) target(%arg7 : memref<336x64xf32, #tpu.memory_space<vmem_shared>>) target_semaphore(%run_scoped3A : memref<!tpu.dma_semaphore, #tpu.memory_space<semaphore_mem>>)
        tpu.wait_dma2 semaphore(%run_scoped3A : memref<!tpu.dma_semaphore, #tpu.memory_space<semaphore_mem>>) src(%arg4 : memref<336x64xf32, #tpu.memory_space<hbm>>) dst(%arg7 : memref<336x64xf32, #tpu.memory_space<vmem_shared>>)
        tpu.yield
      }) : () -> ()
    } else {
    }
    %barrier3A = arith.constant 0 : index
    tpu.barrier barrier_id(%barrier3A)
    %dma_start3A = arith.constant 0 : i32
    %dma_start3A_5 = arith.constant 0 : i32
    %dma_start3A_6 = tpu.memref_slice %arg7[%dma_start3A, %dma_start3A_5] : memref<336x64xf32, #tpu.memory_space<vmem_shared>> -> memref<128x64xf32, #tpu.memory_space<vmem_shared>>
    %dma_start3A_7 = arith.constant 0 : i32
    %dma_start3A_8 = arith.constant 0 : i32
    %dma_start3A_9 = tpu.memref_slice %arg7[%dma_start3A_7, %dma_start3A_8] : memref<336x64xf32, #tpu.memory_space<vmem_shared>> -> memref<128x64xf32, #tpu.memory_space<vmem_shared>>
    tpu.enqueue_dma source(%dma_start3A_9 : memref<128x64xf32, #tpu.memory_space<vmem_shared>>) target(%arg8 : memref<128x64xf32, #tpu.memory_space<vmem>>) target_semaphore(%arg16 : memref<!tpu.dma_semaphore, #tpu.memory_space<semaphore_mem>>)
    %dma_start3A_10 = arith.constant 128 : i32
    %dma_start3A_11 = arith.constant 0 : i32
    %dma_start3A_12 = tpu.memref_slice %arg7[%dma_start3A_10, %dma_start3A_11] : memref<336x64xf32, #tpu.memory_space<vmem_shared>> -> memref<128x64xf32, #tpu.memory_space<vmem_shared>>
    %dma_start3A_13 = arith.constant 128 : i32
    %dma_start3A_14 = arith.constant 0 : i32
    %dma_start3A_15 = tpu.memref_slice %arg7[%dma_start3A_13, %dma_start3A_14] : memref<336x64xf32, #tpu.memory_space<vmem_shared>> -> memref<128x64xf32, #tpu.memory_space<vmem_shared>>
    tpu.enqueue_dma source(%dma_start3A_15 : memref<128x64xf32, #tpu.memory_space<vmem_shared>>) target(%arg9 : memref<128x64xf32, #tpu.memory_space<vmem>>) target_semaphore(%arg17 : memref<!tpu.dma_semaphore, #tpu.memory_space<semaphore_mem>>)
    %dma_start3A_16 = arith.constant 56 : i32
    %dma_start3A_17 = arith.constant 0 : i32
    %dma_start3A_18 = tpu.memref_slice %arg7[%dma_start3A_16, %dma_start3A_17] : memref<336x64xf32, #tpu.memory_space<vmem_shared>> -> memref<128x64xf32, #tpu.memory_space<vmem_shared>>
    %dma_start3A_19 = arith.constant 56 : i32
    %dma_start3A_20 = arith.constant 0 : i32
    %dma_start3A_21 = tpu.memref_slice %arg7[%dma_start3A_19, %dma_start3A_20] : memref<336x64xf32, #tpu.memory_space<vmem_shared>> -> memref<128x64xf32, #tpu.memory_space<vmem_shared>>
    tpu.enqueue_dma source(%dma_start3A_21 : memref<128x64xf32, #tpu.memory_space<vmem_shared>>) target(%arg10 : memref<128x64xf32, #tpu.memory_space<vmem>>) target_semaphore(%arg18 : memref<!tpu.dma_semaphore, #tpu.memory_space<semaphore_mem>>)
    %dma_start3A_22 = arith.constant 184 : i32
    %dma_start3A_23 = arith.constant 0 : i32
    %dma_start3A_24 = tpu.memref_slice %arg7[%dma_start3A_22, %dma_start3A_23] : memref<336x64xf32, #tpu.memory_space<vmem_shared>> -> memref<128x64xf32, #tpu.memory_space<vmem_shared>>
    %dma_start3A_25 = arith.constant 184 : i32
    %dma_start3A_26 = arith.constant 0 : i32
    %dma_start3A_27 = tpu.memref_slice %arg7[%dma_start3A_25, %dma_start3A_26] : memref<336x64xf32, #tpu.memory_space<vmem_shared>> -> memref<128x64xf32, #tpu.memory_space<vmem_shared>>
    tpu.enqueue_dma source(%dma_start3A_27 : memref<128x64xf32, #tpu.memory_space<vmem_shared>>) target(%arg11 : memref<128x64xf32, #tpu.memory_space<vmem>>) target_semaphore(%arg19 : memref<!tpu.dma_semaphore, #tpu.memory_space<semaphore_mem>>)
    %dma_start3A_28 = arith.constant 112 : i32
    %dma_start3A_29 = arith.constant 0 : i32
    %dma_start3A_30 = tpu.memref_slice %arg7[%dma_start3A_28, %dma_start3A_29] : memref<336x64xf32, #tpu.memory_space<vmem_shared>> -> memref<128x64xf32, #tpu.memory_space<vmem_shared>>
    %dma_start3A_31 = arith.constant 112 : i32
    %dma_start3A_32 = arith.constant 0 : i32
    %dma_start3A_33 = tpu.memref_slice %arg7[%dma_start3A_31, %dma_start3A_32] : memref<336x64xf32, #tpu.memory_space<vmem_shared>> -> memref<128x64xf32, #tpu.memory_space<vmem_shared>>
    tpu.enqueue_dma source(%dma_start3A_33 : memref<128x64xf32, #tpu.memory_space<vmem_shared>>) target(%arg12 : memref<128x64xf32, #tpu.memory_space<vmem>>) target_semaphore(%arg20 : memref<!tpu.dma_semaphore, #tpu.memory_space<semaphore_mem>>)
    %scan3A = arith.constant 0 : i32
    %scan3A_34 = arith.constant 0 : i32
    %scan3A_35 = arith.constant 25 : i32
    %scan3A_36 = arith.addi %scan3A_34, %scan3A_35 : i32
    %scan3A_37 = arith.constant 1 : i32
    scf.for %scan3A_96 = %scan3A_34 to %scan3A_36 step %scan3A_37  : i32 {
      %mul3A_97 = arith.constant 8 : i32
      %mul3A_98 = arith.muli %mul3A_97, %scan3A_96 : i32
      %add3A_99 = arith.constant 0 : i32
      %add3A_100 = arith.addi %mul3A_98, %add3A_99 : i32
      %dma_wait3A_101 = arith.constant 0 : i32
      %dma_wait3A_102 = arith.constant 0 : i32
      %dma_wait3A_103 = tpu.memref_slice %arg7[%dma_wait3A_101, %dma_wait3A_102] : memref<336x64xf32, #tpu.memory_space<vmem_shared>> -> memref<128x64xf32, #tpu.memory_space<vmem_shared>>
      %dma_wait3A_104 = arith.constant 0 : i32
      %dma_wait3A_105 = arith.constant 0 : i32
      %dma_wait3A_106 = tpu.memref_slice %arg7[%dma_wait3A_104, %dma_wait3A_105] : memref<336x64xf32, #tpu.memory_space<vmem_shared>> -> memref<128x64xf32, #tpu.memory_space<vmem_shared>>
      tpu.wait_dma2 semaphore(%arg16 : memref<!tpu.dma_semaphore, #tpu.memory_space<semaphore_mem>>) src(%dma_wait3A_106 : memref<128x64xf32, #tpu.memory_space<vmem_shared>>) dst(%arg8 : memref<128x64xf32, #tpu.memory_space<vmem>>)
      %dma_start3A_107 = arith.constant 0 : i32
      %dma_start3A_108 = tpu.memref_slice %arg6[%add3A_100, %dma_start3A_107] : memref<200x128xi32, #tpu.memory_space<vmem>> -> memref<1x128xi32, #tpu.memory_space<vmem>>
      %dma_start3A_109 = tpu.memref_squeeze %dma_start3A_108 : memref<1x128xi32, #tpu.memory_space<vmem>> -> memref<128xi32, #tpu.memory_space<vmem>>
      %dma_start3A_110 = arith.constant 0 : i32
      %dma_start3A_111 = arith.constant 0 : i32
      %dma_start3A_112 = tpu.memref_slice %arg3[%dma_start3A_110, %dma_start3A_111] : memref<100000x64xf32, #tpu.memory_space<hbm>> -> memref<100000x64xf32, #tpu.memory_space<hbm>>
      tpu.enqueue_indirect_dma source(%dma_start3A_112 : memref<100000x64xf32, #tpu.memory_space<hbm>>) target(%arg8 : memref<128x64xf32, #tpu.memory_space<vmem>>) offsets(%dma_start3A_109 : memref<128xi32, #tpu.memory_space<vmem>>) semaphore(%arg24 : memref<!tpu.dma_semaphore, #tpu.memory_space<semaphore_mem>>) {add = true}
      %ge3A = arith.constant 2 : i32
      %ge3A_113 = arith.cmpi sge, %add3A_100, %ge3A : i32
      %convert_element_type3A_114 = arith.extui %ge3A_113 : i1 to i32
      %cond3A_115 = arith.constant 0 : i32
      %cond3A_116 = arith.cmpi ne, %convert_element_type3A_114, %cond3A_115 : i32
      scf.if %cond3A_116 {
        %dma_wait3A_319 = arith.constant 0 : i32
        %dma_wait3A_320 = arith.constant 0 : i32
        %dma_wait3A_321 = tpu.memref_slice %arg6[%dma_wait3A_319, %dma_wait3A_320] : memref<200x128xi32, #tpu.memory_space<vmem>> -> memref<1x128xi32, #tpu.memory_space<vmem>>
        %dma_wait3A_322 = tpu.memref_squeeze %dma_wait3A_321 : memref<1x128xi32, #tpu.memory_space<vmem>> -> memref<128xi32, #tpu.memory_space<vmem>>
        %dma_wait3A_323 = arith.constant 0 : i32
        %dma_wait3A_324 = arith.constant 0 : i32
        %dma_wait3A_325 = tpu.memref_slice %arg3[%dma_wait3A_323, %dma_wait3A_324] : memref<100000x64xf32, #tpu.memory_space<hbm>> -> memref<100000x64xf32, #tpu.memory_space<hbm>>
        tpu.wait_indirect_dma semaphore(%arg30 : memref<!tpu.dma_semaphore, #tpu.memory_space<semaphore_mem>>) src(%dma_wait3A_325 : memref<100000x64xf32, #tpu.memory_space<hbm>>) dst(%arg14 : memref<128x64xf32, #tpu.memory_space<vmem>>)
        %sub3A = arith.constant 2 : i32
        %sub3A_326 = arith.subi %add3A_100, %sub3A : i32
        %mul3A_327 = arith.constant 128 : i32
        %mul3A_328 = arith.muli %sub3A_326, %mul3A_327 : i32
        %add3A_329 = arith.addi %mul3A_2, %mul3A_328 : i32
        %dma_start3A_330 = arith.constant 0 : i32
        %dma_start3A_331 = tpu.memref_slice %arg5[%add3A_329, %dma_start3A_330] : memref<819200x128xf32, #tpu.memory_space<hbm>> -> memref<128x64xf32, #tpu.memory_space<hbm>>
        %dma_start3A_332 = arith.constant 0 : i32
        %dma_start3A_333 = tpu.memref_slice %arg5[%add3A_329, %dma_start3A_332] : memref<819200x128xf32, #tpu.memory_space<hbm>> -> memref<128x64xf32, #tpu.memory_space<hbm>>
        tpu.enqueue_dma source(%arg14 : memref<128x64xf32, #tpu.memory_space<vmem>>) target(%dma_start3A_333 : memref<128x64xf32, #tpu.memory_space<hbm>>) target_semaphore(%arg38 : memref<!tpu.dma_semaphore, #tpu.memory_space<semaphore_mem>>)
      } else {
      }
      %add3A_117 = arith.constant 5 : i32
      %add3A_118 = arith.addi %add3A_100, %add3A_117 : i32
      %lt3A = arith.constant 200 : i32
      %lt3A_119 = arith.cmpi slt, %add3A_118, %lt3A : i32
      %convert_element_type3A_120 = arith.extui %lt3A_119 : i1 to i32
      %cond3A_121 = arith.constant 0 : i32
      %cond3A_122 = arith.cmpi ne, %convert_element_type3A_120, %cond3A_121 : i32
      scf.if %cond3A_122 {
        %ge3A_319 = arith.constant 3 : i32
        %ge3A_320 = arith.cmpi sge, %add3A_100, %ge3A_319 : i32
        %convert_element_type3A_321 = arith.extui %ge3A_320 : i1 to i32
        %cond3A_322 = arith.constant 0 : i32
        %cond3A_323 = arith.cmpi ne, %convert_element_type3A_321, %cond3A_322 : i32
        scf.if %cond3A_323 {
          %dma_wait3A_343 = arith.constant 0 : i32
          %dma_wait3A_344 = tpu.memref_slice %arg5[%mul3A_2, %dma_wait3A_343] : memref<819200x128xf32, #tpu.memory_space<hbm>> -> memref<128x64xf32, #tpu.memory_space<hbm>>
          %dma_wait3A_345 = arith.constant 0 : i32
          %dma_wait3A_346 = tpu.memref_slice %arg5[%mul3A_2, %dma_wait3A_345] : memref<819200x128xf32, #tpu.memory_space<hbm>> -> memref<128x64xf32, #tpu.memory_space<hbm>>
          tpu.wait_dma2 semaphore(%arg37 : memref<!tpu.dma_semaphore, #tpu.memory_space<semaphore_mem>>) src(%arg13 : memref<128x64xf32, #tpu.memory_space<vmem>>) dst(%dma_wait3A_346 : memref<128x64xf32, #tpu.memory_space<hbm>>)
        } else {
        }
        %add3A_324 = arith.constant 5 : i32
        %add3A_325 = arith.addi %add3A_100, %add3A_324 : i32
        %mul3A_326 = arith.constant 128 : i32
        %mul3A_327 = arith.muli %add3A_325, %mul3A_326 : i32
        %jit3A = arith.constant 200 : i32
        %eq3A_328 = arith.constant 0 : i32
        %eq3A_329 = arith.cmpi eq, %jit3A, %eq3A_328 : i32
        %jit3A_330 = arith.constant 1 : i32
        %select_n3A = arith.select %eq3A_329, %jit3A_330, %jit3A : i32
        %rem3A = arith.remsi %mul3A_327, %select_n3A : i32
        %ne3A = arith.constant 0 : i32
        %ne3A_331 = arith.cmpi ne, %rem3A, %ne3A : i32
        %lt3A_332 = arith.constant 0 : i32
        %lt3A_333 = arith.cmpi slt, %rem3A, %lt3A_332 : i32
        %lt3A_334 = arith.constant 0 : i32
        %lt3A_335 = arith.cmpi slt, %select_n3A, %lt3A_334 : i32
        %ne3A_336 = arith.xori %lt3A_333, %lt3A_335 : i1
        %and3A = arith.andi %ne3A_336, %ne3A_331 : i1
        %add3A_337 = arith.addi %rem3A, %select_n3A : i32
        %select_n3A_338 = arith.select %and3A, %add3A_337, %rem3A : i32
        %dma_start3A_339 = arith.constant 0 : i32
        %dma_start3A_340 = tpu.memref_slice %arg7[%select_n3A_338, %dma_start3A_339] : memref<336x64xf32, #tpu.memory_space<vmem_shared>> -> memref<128x64xf32, #tpu.memory_space<vmem_shared>>
        %dma_start3A_341 = arith.constant 0 : i32
        %dma_start3A_342 = tpu.memref_slice %arg7[%select_n3A_338, %dma_start3A_341] : memref<336x64xf32, #tpu.memory_space<vmem_shared>> -> memref<128x64xf32, #tpu.memory_space<vmem_shared>>
        tpu.enqueue_dma source(%dma_start3A_342 : memref<128x64xf32, #tpu.memory_space<vmem_shared>>) target(%arg13 : memref<128x64xf32, #tpu.memory_space<vmem>>) target_semaphore(%arg21 : memref<!tpu.dma_semaphore, #tpu.memory_space<semaphore_mem>>)
      } else {
      }
      %mul3A_123 = arith.constant 8 : i32
      %mul3A_124 = arith.muli %mul3A_123, %scan3A_96 : i32
      %add3A_125 = arith.constant 1 : i32
      %add3A_126 = arith.addi %mul3A_124, %add3A_125 : i32
      %dma_wait3A_127 = arith.constant 0 : i32
      %dma_wait3A_128 = arith.constant 0 : i32
      %dma_wait3A_129 = tpu.memref_slice %arg7[%dma_wait3A_127, %dma_wait3A_128] : memref<336x64xf32, #tpu.memory_space<vmem_shared>> -> memref<128x64xf32, #tpu.memory_space<vmem_shared>>
      %dma_wait3A_130 = arith.constant 0 : i32
      %dma_wait3A_131 = arith.constant 0 : i32
      %dma_wait3A_132 = tpu.memref_slice %arg7[%dma_wait3A_130, %dma_wait3A_131] : memref<336x64xf32, #tpu.memory_space<vmem_shared>> -> memref<128x64xf32, #tpu.memory_space<vmem_shared>>
      tpu.wait_dma2 semaphore(%arg17 : memref<!tpu.dma_semaphore, #tpu.memory_space<semaphore_mem>>) src(%dma_wait3A_132 : memref<128x64xf32, #tpu.memory_space<vmem_shared>>) dst(%arg9 : memref<128x64xf32, #tpu.memory_space<vmem>>)
      %dma_start3A_133 = arith.constant 0 : i32
      %dma_start3A_134 = tpu.memref_slice %arg6[%add3A_126, %dma_start3A_133] : memref<200x128xi32, #tpu.memory_space<vmem>> -> memref<1x128xi32, #tpu.memory_space<vmem>>
      %dma_start3A_135 = tpu.memref_squeeze %dma_start3A_134 : memref<1x128xi32, #tpu.memory_space<vmem>> -> memref<128xi32, #tpu.memory_space<vmem>>
      %dma_start3A_136 = arith.constant 0 : i32
      %dma_start3A_137 = arith.constant 0 : i32
      %dma_start3A_138 = tpu.memref_slice %arg3[%dma_start3A_136, %dma_start3A_137] : memref<100000x64xf32, #tpu.memory_space<hbm>> -> memref<100000x64xf32, #tpu.memory_space<hbm>>
      tpu.enqueue_indirect_dma source(%dma_start3A_138 : memref<100000x64xf32, #tpu.memory_space<hbm>>) target(%arg9 : memref<128x64xf32, #tpu.memory_space<vmem>>) offsets(%dma_start3A_135 : memref<128xi32, #tpu.memory_space<vmem>>) semaphore(%arg25 : memref<!tpu.dma_semaphore, #tpu.memory_space<semaphore_mem>>) {add = true}
      %ge3A_139 = arith.constant 2 : i32
      %ge3A_140 = arith.cmpi sge, %add3A_126, %ge3A_139 : i32
      %convert_element_type3A_141 = arith.extui %ge3A_140 : i1 to i32
      %cond3A_142 = arith.constant 0 : i32
      %cond3A_143 = arith.cmpi ne, %convert_element_type3A_141, %cond3A_142 : i32
      scf.if %cond3A_143 {
        %dma_wait3A_319 = arith.constant 0 : i32
        %dma_wait3A_320 = arith.constant 0 : i32
        %dma_wait3A_321 = tpu.memref_slice %arg6[%dma_wait3A_319, %dma_wait3A_320] : memref<200x128xi32, #tpu.memory_space<vmem>> -> memref<1x128xi32, #tpu.memory_space<vmem>>
        %dma_wait3A_322 = tpu.memref_squeeze %dma_wait3A_321 : memref<1x128xi32, #tpu.memory_space<vmem>> -> memref<128xi32, #tpu.memory_space<vmem>>
        %dma_wait3A_323 = arith.constant 0 : i32
        %dma_wait3A_324 = arith.constant 0 : i32
        %dma_wait3A_325 = tpu.memref_slice %arg3[%dma_wait3A_323, %dma_wait3A_324] : memref<100000x64xf32, #tpu.memory_space<hbm>> -> memref<100000x64xf32, #tpu.memory_space<hbm>>
        tpu.wait_indirect_dma semaphore(%arg31 : memref<!tpu.dma_semaphore, #tpu.memory_space<semaphore_mem>>) src(%dma_wait3A_325 : memref<100000x64xf32, #tpu.memory_space<hbm>>) dst(%arg15 : memref<128x64xf32, #tpu.memory_space<vmem>>)
        %sub3A = arith.constant 2 : i32
        %sub3A_326 = arith.subi %add3A_126, %sub3A : i32
        %mul3A_327 = arith.constant 128 : i32
        %mul3A_328 = arith.muli %sub3A_326, %mul3A_327 : i32
        %add3A_329 = arith.addi %mul3A_2, %mul3A_328 : i32
        %dma_start3A_330 = arith.constant 0 : i32
        %dma_start3A_331 = tpu.memref_slice %arg5[%add3A_329, %dma_start3A_330] : memref<819200x128xf32, #tpu.memory_space<hbm>> -> memref<128x64xf32, #tpu.memory_space<hbm>>
        %dma_start3A_332 = arith.constant 0 : i32
        %dma_start3A_333 = tpu.memref_slice %arg5[%add3A_329, %dma_start3A_332] : memref<819200x128xf32, #tpu.memory_space<hbm>> -> memref<128x64xf32, #tpu.memory_space<hbm>>
        tpu.enqueue_dma source(%arg15 : memref<128x64xf32, #tpu.memory_space<vmem>>) target(%dma_start3A_333 : memref<128x64xf32, #tpu.memory_space<hbm>>) target_semaphore(%arg39 : memref<!tpu.dma_semaphore, #tpu.memory_space<semaphore_mem>>)
      } else {
      }
      %add3A_144 = arith.constant 5 : i32
      %add3A_145 = arith.addi %add3A_126, %add3A_144 : i32
      %lt3A_146 = arith.constant 200 : i32
      %lt3A_147 = arith.cmpi slt, %add3A_145, %lt3A_146 : i32
      %convert_element_type3A_148 = arith.extui %lt3A_147 : i1 to i32
      %cond3A_149 = arith.constant 0 : i32
      %cond3A_150 = arith.cmpi ne, %convert_element_type3A_148, %cond3A_149 : i32
      scf.if %cond3A_150 {
        %ge3A_319 = arith.constant 3 : i32
        %ge3A_320 = arith.cmpi sge, %add3A_126, %ge3A_319 : i32
        %convert_element_type3A_321 = arith.extui %ge3A_320 : i1 to i32
        %cond3A_322 = arith.constant 0 : i32
        %cond3A_323 = arith.cmpi ne, %convert_element_type3A_321, %cond3A_322 : i32
        scf.if %cond3A_323 {
          %dma_wait3A_343 = arith.constant 0 : i32
          %dma_wait3A_344 = tpu.memref_slice %arg5[%mul3A_2, %dma_wait3A_343] : memref<819200x128xf32, #tpu.memory_space<hbm>> -> memref<128x64xf32, #tpu.memory_space<hbm>>
          %dma_wait3A_345 = arith.constant 0 : i32
          %dma_wait3A_346 = tpu.memref_slice %arg5[%mul3A_2, %dma_wait3A_345] : memref<819200x128xf32, #tpu.memory_space<hbm>> -> memref<128x64xf32, #tpu.memory_space<hbm>>
          tpu.wait_dma2 semaphore(%arg38 : memref<!tpu.dma_semaphore, #tpu.memory_space<semaphore_mem>>) src(%arg14 : memref<128x64xf32, #tpu.memory_space<vmem>>) dst(%dma_wait3A_346 : memref<128x64xf32, #tpu.memory_space<hbm>>)
        } else {
        }
        %add3A_324 = arith.constant 5 : i32
        %add3A_325 = arith.addi %add3A_126, %add3A_324 : i32
        %mul3A_326 = arith.constant 128 : i32
        %mul3A_327 = arith.muli %add3A_325, %mul3A_326 : i32
        %jit3A = arith.constant 200 : i32
        %eq3A_328 = arith.constant 0 : i32
        %eq3A_329 = arith.cmpi eq, %jit3A, %eq3A_328 : i32
        %jit3A_330 = arith.constant 1 : i32
        %select_n3A = arith.select %eq3A_329, %jit3A_330, %jit3A : i32
        %rem3A = arith.remsi %mul3A_327, %select_n3A : i32
        %ne3A = arith.constant 0 : i32
        %ne3A_331 = arith.cmpi ne, %rem3A, %ne3A : i32
        %lt3A_332 = arith.constant 0 : i32
        %lt3A_333 = arith.cmpi slt, %rem3A, %lt3A_332 : i32
        %lt3A_334 = arith.constant 0 : i32
        %lt3A_335 = arith.cmpi slt, %select_n3A, %lt3A_334 : i32
        %ne3A_336 = arith.xori %lt3A_333, %lt3A_335 : i1
        %and3A = arith.andi %ne3A_336, %ne3A_331 : i1
        %add3A_337 = arith.addi %rem3A, %select_n3A : i32
        %select_n3A_338 = arith.select %and3A, %add3A_337, %rem3A : i32
        %dma_start3A_339 = arith.constant 0 : i32
        %dma_start3A_340 = tpu.memref_slice %arg7[%select_n3A_338, %dma_start3A_339] : memref<336x64xf32, #tpu.memory_space<vmem_shared>> -> memref<128x64xf32, #tpu.memory_space<vmem_shared>>
        %dma_start3A_341 = arith.constant 0 : i32
        %dma_start3A_342 = tpu.memref_slice %arg7[%select_n3A_338, %dma_start3A_341] : memref<336x64xf32, #tpu.memory_space<vmem_shared>> -> memref<128x64xf32, #tpu.memory_space<vmem_shared>>
        tpu.enqueue_dma source(%dma_start3A_342 : memref<128x64xf32, #tpu.memory_space<vmem_shared>>) target(%arg14 : memref<128x64xf32, #tpu.memory_space<vmem>>) target_semaphore(%arg22 : memref<!tpu.dma_semaphore, #tpu.memory_space<semaphore_mem>>)
      } else {
      }
      %mul3A_151 = arith.constant 8 : i32
      %mul3A_152 = arith.muli %mul3A_151, %scan3A_96 : i32
      %add3A_153 = arith.constant 2 : i32
      %add3A_154 = arith.addi %mul3A_152, %add3A_153 : i32
      %dma_wait3A_155 = arith.constant 0 : i32
      %dma_wait3A_156 = arith.constant 0 : i32
      %dma_wait3A_157 = tpu.memref_slice %arg7[%dma_wait3A_155, %dma_wait3A_156] : memref<336x64xf32, #tpu.memory_space<vmem_shared>> -> memref<128x64xf32, #tpu.memory_space<vmem_shared>>
      %dma_wait3A_158 = arith.constant 0 : i32
      %dma_wait3A_159 = arith.constant 0 : i32
      %dma_wait3A_160 = tpu.memref_slice %arg7[%dma_wait3A_158, %dma_wait3A_159] : memref<336x64xf32, #tpu.memory_space<vmem_shared>> -> memref<128x64xf32, #tpu.memory_space<vmem_shared>>
      tpu.wait_dma2 semaphore(%arg18 : memref<!tpu.dma_semaphore, #tpu.memory_space<semaphore_mem>>) src(%dma_wait3A_160 : memref<128x64xf32, #tpu.memory_space<vmem_shared>>) dst(%arg10 : memref<128x64xf32, #tpu.memory_space<vmem>>)
      %dma_start3A_161 = arith.constant 0 : i32
      %dma_start3A_162 = tpu.memref_slice %arg6[%add3A_154, %dma_start3A_161] : memref<200x128xi32, #tpu.memory_space<vmem>> -> memref<1x128xi32, #tpu.memory_space<vmem>>
      %dma_start3A_163 = tpu.memref_squeeze %dma_start3A_162 : memref<1x128xi32, #tpu.memory_space<vmem>> -> memref<128xi32, #tpu.memory_space<vmem>>
      %dma_start3A_164 = arith.constant 0 : i32
      %dma_start3A_165 = arith.constant 0 : i32
      %dma_start3A_166 = tpu.memref_slice %arg3[%dma_start3A_164, %dma_start3A_165] : memref<100000x64xf32, #tpu.memory_space<hbm>> -> memref<100000x64xf32, #tpu.memory_space<hbm>>
      tpu.enqueue_indirect_dma source(%dma_start3A_166 : memref<100000x64xf32, #tpu.memory_space<hbm>>) target(%arg10 : memref<128x64xf32, #tpu.memory_space<vmem>>) offsets(%dma_start3A_163 : memref<128xi32, #tpu.memory_space<vmem>>) semaphore(%arg26 : memref<!tpu.dma_semaphore, #tpu.memory_space<semaphore_mem>>) {add = true}
      %ge3A_167 = arith.constant 2 : i32
      %ge3A_168 = arith.cmpi sge, %add3A_154, %ge3A_167 : i32
      %convert_element_type3A_169 = arith.extui %ge3A_168 : i1 to i32
      %cond3A_170 = arith.constant 0 : i32
      %cond3A_171 = arith.cmpi ne, %convert_element_type3A_169, %cond3A_170 : i32
      scf.if %cond3A_171 {
        %dma_wait3A_319 = arith.constant 0 : i32
        %dma_wait3A_320 = arith.constant 0 : i32
        %dma_wait3A_321 = tpu.memref_slice %arg6[%dma_wait3A_319, %dma_wait3A_320] : memref<200x128xi32, #tpu.memory_space<vmem>> -> memref<1x128xi32, #tpu.memory_space<vmem>>
        %dma_wait3A_322 = tpu.memref_squeeze %dma_wait3A_321 : memref<1x128xi32, #tpu.memory_space<vmem>> -> memref<128xi32, #tpu.memory_space<vmem>>
        %dma_wait3A_323 = arith.constant 0 : i32
        %dma_wait3A_324 = arith.constant 0 : i32
        %dma_wait3A_325 = tpu.memref_slice %arg3[%dma_wait3A_323, %dma_wait3A_324] : memref<100000x64xf32, #tpu.memory_space<hbm>> -> memref<100000x64xf32, #tpu.memory_space<hbm>>
        tpu.wait_indirect_dma semaphore(%arg24 : memref<!tpu.dma_semaphore, #tpu.memory_space<semaphore_mem>>) src(%dma_wait3A_325 : memref<100000x64xf32, #tpu.memory_space<hbm>>) dst(%arg8 : memref<128x64xf32, #tpu.memory_space<vmem>>)
        %sub3A = arith.constant 2 : i32
        %sub3A_326 = arith.subi %add3A_154, %sub3A : i32
        %mul3A_327 = arith.constant 128 : i32
        %mul3A_328 = arith.muli %sub3A_326, %mul3A_327 : i32
        %add3A_329 = arith.addi %mul3A_2, %mul3A_328 : i32
        %dma_start3A_330 = arith.constant 0 : i32
        %dma_start3A_331 = tpu.memref_slice %arg5[%add3A_329, %dma_start3A_330] : memref<819200x128xf32, #tpu.memory_space<hbm>> -> memref<128x64xf32, #tpu.memory_space<hbm>>
        %dma_start3A_332 = arith.constant 0 : i32
        %dma_start3A_333 = tpu.memref_slice %arg5[%add3A_329, %dma_start3A_332] : memref<819200x128xf32, #tpu.memory_space<hbm>> -> memref<128x64xf32, #tpu.memory_space<hbm>>
        tpu.enqueue_dma source(%arg8 : memref<128x64xf32, #tpu.memory_space<vmem>>) target(%dma_start3A_333 : memref<128x64xf32, #tpu.memory_space<hbm>>) target_semaphore(%arg32 : memref<!tpu.dma_semaphore, #tpu.memory_space<semaphore_mem>>)
      } else {
      }
      %add3A_172 = arith.constant 5 : i32
      %add3A_173 = arith.addi %add3A_154, %add3A_172 : i32
      %lt3A_174 = arith.constant 200 : i32
      %lt3A_175 = arith.cmpi slt, %add3A_173, %lt3A_174 : i32
      %convert_element_type3A_176 = arith.extui %lt3A_175 : i1 to i32
      %cond3A_177 = arith.constant 0 : i32
      %cond3A_178 = arith.cmpi ne, %convert_element_type3A_176, %cond3A_177 : i32
      scf.if %cond3A_178 {
        %ge3A_319 = arith.constant 3 : i32
        %ge3A_320 = arith.cmpi sge, %add3A_154, %ge3A_319 : i32
        %convert_element_type3A_321 = arith.extui %ge3A_320 : i1 to i32
        %cond3A_322 = arith.constant 0 : i32
        %cond3A_323 = arith.cmpi ne, %convert_element_type3A_321, %cond3A_322 : i32
        scf.if %cond3A_323 {
          %dma_wait3A_343 = arith.constant 0 : i32
          %dma_wait3A_344 = tpu.memref_slice %arg5[%mul3A_2, %dma_wait3A_343] : memref<819200x128xf32, #tpu.memory_space<hbm>> -> memref<128x64xf32, #tpu.memory_space<hbm>>
          %dma_wait3A_345 = arith.constant 0 : i32
          %dma_wait3A_346 = tpu.memref_slice %arg5[%mul3A_2, %dma_wait3A_345] : memref<819200x128xf32, #tpu.memory_space<hbm>> -> memref<128x64xf32, #tpu.memory_space<hbm>>
          tpu.wait_dma2 semaphore(%arg39 : memref<!tpu.dma_semaphore, #tpu.memory_space<semaphore_mem>>) src(%arg15 : memref<128x64xf32, #tpu.memory_space<vmem>>) dst(%dma_wait3A_346 : memref<128x64xf32, #tpu.memory_space<hbm>>)
        } else {
        }
        %add3A_324 = arith.constant 5 : i32
        %add3A_325 = arith.addi %add3A_154, %add3A_324 : i32
        %mul3A_326 = arith.constant 128 : i32
        %mul3A_327 = arith.muli %add3A_325, %mul3A_326 : i32
        %jit3A = arith.constant 200 : i32
        %eq3A_328 = arith.constant 0 : i32
        %eq3A_329 = arith.cmpi eq, %jit3A, %eq3A_328 : i32
        %jit3A_330 = arith.constant 1 : i32
        %select_n3A = arith.select %eq3A_329, %jit3A_330, %jit3A : i32
        %rem3A = arith.remsi %mul3A_327, %select_n3A : i32
        %ne3A = arith.constant 0 : i32
        %ne3A_331 = arith.cmpi ne, %rem3A, %ne3A : i32
        %lt3A_332 = arith.constant 0 : i32
        %lt3A_333 = arith.cmpi slt, %rem3A, %lt3A_332 : i32
        %lt3A_334 = arith.constant 0 : i32
        %lt3A_335 = arith.cmpi slt, %select_n3A, %lt3A_334 : i32
        %ne3A_336 = arith.xori %lt3A_333, %lt3A_335 : i1
        %and3A = arith.andi %ne3A_336, %ne3A_331 : i1
        %add3A_337 = arith.addi %rem3A, %select_n3A : i32
        %select_n3A_338 = arith.select %and3A, %add3A_337, %rem3A : i32
        %dma_start3A_339 = arith.constant 0 : i32
        %dma_start3A_340 = tpu.memref_slice %arg7[%select_n3A_338, %dma_start3A_339] : memref<336x64xf32, #tpu.memory_space<vmem_shared>> -> memref<128x64xf32, #tpu.memory_space<vmem_shared>>
        %dma_start3A_341 = arith.constant 0 : i32
        %dma_start3A_342 = tpu.memref_slice %arg7[%select_n3A_338, %dma_start3A_341] : memref<336x64xf32, #tpu.memory_space<vmem_shared>> -> memref<128x64xf32, #tpu.memory_space<vmem_shared>>
        tpu.enqueue_dma source(%dma_start3A_342 : memref<128x64xf32, #tpu.memory_space<vmem_shared>>) target(%arg15 : memref<128x64xf32, #tpu.memory_space<vmem>>) target_semaphore(%arg23 : memref<!tpu.dma_semaphore, #tpu.memory_space<semaphore_mem>>)
      } else {
      }
      %mul3A_179 = arith.constant 8 : i32
      %mul3A_180 = arith.muli %mul3A_179, %scan3A_96 : i32
      %add3A_181 = arith.constant 3 : i32
      %add3A_182 = arith.addi %mul3A_180, %add3A_181 : i32
      %dma_wait3A_183 = arith.constant 0 : i32
      %dma_wait3A_184 = arith.constant 0 : i32
      %dma_wait3A_185 = tpu.memref_slice %arg7[%dma_wait3A_183, %dma_wait3A_184] : memref<336x64xf32, #tpu.memory_space<vmem_shared>> -> memref<128x64xf32, #tpu.memory_space<vmem_shared>>
      %dma_wait3A_186 = arith.constant 0 : i32
      %dma_wait3A_187 = arith.constant 0 : i32
      %dma_wait3A_188 = tpu.memref_slice %arg7[%dma_wait3A_186, %dma_wait3A_187] : memref<336x64xf32, #tpu.memory_space<vmem_shared>> -> memref<128x64xf32, #tpu.memory_space<vmem_shared>>
      tpu.wait_dma2 semaphore(%arg19 : memref<!tpu.dma_semaphore, #tpu.memory_space<semaphore_mem>>) src(%dma_wait3A_188 : memref<128x64xf32, #tpu.memory_space<vmem_shared>>) dst(%arg11 : memref<128x64xf32, #tpu.memory_space<vmem>>)
      %dma_start3A_189 = arith.constant 0 : i32
      %dma_start3A_190 = tpu.memref_slice %arg6[%add3A_182, %dma_start3A_189] : memref<200x128xi32, #tpu.memory_space<vmem>> -> memref<1x128xi32, #tpu.memory_space<vmem>>
      %dma_start3A_191 = tpu.memref_squeeze %dma_start3A_190 : memref<1x128xi32, #tpu.memory_space<vmem>> -> memref<128xi32, #tpu.memory_space<vmem>>
      %dma_start3A_192 = arith.constant 0 : i32
      %dma_start3A_193 = arith.constant 0 : i32
      %dma_start3A_194 = tpu.memref_slice %arg3[%dma_start3A_192, %dma_start3A_193] : memref<100000x64xf32, #tpu.memory_space<hbm>> -> memref<100000x64xf32, #tpu.memory_space<hbm>>
      tpu.enqueue_indirect_dma source(%dma_start3A_194 : memref<100000x64xf32, #tpu.memory_space<hbm>>) target(%arg11 : memref<128x64xf32, #tpu.memory_space<vmem>>) offsets(%dma_start3A_191 : memref<128xi32, #tpu.memory_space<vmem>>) semaphore(%arg27 : memref<!tpu.dma_semaphore, #tpu.memory_space<semaphore_mem>>) {add = true}
      %ge3A_195 = arith.constant 2 : i32
      %ge3A_196 = arith.cmpi sge, %add3A_182, %ge3A_195 : i32
      %convert_element_type3A_197 = arith.extui %ge3A_196 : i1 to i32
      %cond3A_198 = arith.constant 0 : i32
      %cond3A_199 = arith.cmpi ne, %convert_element_type3A_197, %cond3A_198 : i32
      scf.if %cond3A_199 {
        %dma_wait3A_319 = arith.constant 0 : i32
        %dma_wait3A_320 = arith.constant 0 : i32
        %dma_wait3A_321 = tpu.memref_slice %arg6[%dma_wait3A_319, %dma_wait3A_320] : memref<200x128xi32, #tpu.memory_space<vmem>> -> memref<1x128xi32, #tpu.memory_space<vmem>>
        %dma_wait3A_322 = tpu.memref_squeeze %dma_wait3A_321 : memref<1x128xi32, #tpu.memory_space<vmem>> -> memref<128xi32, #tpu.memory_space<vmem>>
        %dma_wait3A_323 = arith.constant 0 : i32
        %dma_wait3A_324 = arith.constant 0 : i32
        %dma_wait3A_325 = tpu.memref_slice %arg3[%dma_wait3A_323, %dma_wait3A_324] : memref<100000x64xf32, #tpu.memory_space<hbm>> -> memref<100000x64xf32, #tpu.memory_space<hbm>>
        tpu.wait_indirect_dma semaphore(%arg25 : memref<!tpu.dma_semaphore, #tpu.memory_space<semaphore_mem>>) src(%dma_wait3A_325 : memref<100000x64xf32, #tpu.memory_space<hbm>>) dst(%arg9 : memref<128x64xf32, #tpu.memory_space<vmem>>)
        %sub3A = arith.constant 2 : i32
        %sub3A_326 = arith.subi %add3A_182, %sub3A : i32
        %mul3A_327 = arith.constant 128 : i32
        %mul3A_328 = arith.muli %sub3A_326, %mul3A_327 : i32
        %add3A_329 = arith.addi %mul3A_2, %mul3A_328 : i32
        %dma_start3A_330 = arith.constant 0 : i32
        %dma_start3A_331 = tpu.memref_slice %arg5[%add3A_329, %dma_start3A_330] : memref<819200x128xf32, #tpu.memory_space<hbm>> -> memref<128x64xf32, #tpu.memory_space<hbm>>
        %dma_start3A_332 = arith.constant 0 : i32
        %dma_start3A_333 = tpu.memref_slice %arg5[%add3A_329, %dma_start3A_332] : memref<819200x128xf32, #tpu.memory_space<hbm>> -> memref<128x64xf32, #tpu.memory_space<hbm>>
        tpu.enqueue_dma source(%arg9 : memref<128x64xf32, #tpu.memory_space<vmem>>) target(%dma_start3A_333 : memref<128x64xf32, #tpu.memory_space<hbm>>) target_semaphore(%arg33 : memref<!tpu.dma_semaphore, #tpu.memory_space<semaphore_mem>>)
      } else {
      }
      %add3A_200 = arith.constant 5 : i32
      %add3A_201 = arith.addi %add3A_182, %add3A_200 : i32
      %lt3A_202 = arith.constant 200 : i32
      %lt3A_203 = arith.cmpi slt, %add3A_201, %lt3A_202 : i32
      %convert_element_type3A_204 = arith.extui %lt3A_203 : i1 to i32
      %cond3A_205 = arith.constant 0 : i32
      %cond3A_206 = arith.cmpi ne, %convert_element_type3A_204, %cond3A_205 : i32
      scf.if %cond3A_206 {
        %ge3A_319 = arith.constant 3 : i32
        %ge3A_320 = arith.cmpi sge, %add3A_182, %ge3A_319 : i32
        %convert_element_type3A_321 = arith.extui %ge3A_320 : i1 to i32
        %cond3A_322 = arith.constant 0 : i32
        %cond3A_323 = arith.cmpi ne, %convert_element_type3A_321, %cond3A_322 : i32
        scf.if %cond3A_323 {
          %dma_wait3A_343 = arith.constant 0 : i32
          %dma_wait3A_344 = tpu.memref_slice %arg5[%mul3A_2, %dma_wait3A_343] : memref<819200x128xf32, #tpu.memory_space<hbm>> -> memref<128x64xf32, #tpu.memory_space<hbm>>
          %dma_wait3A_345 = arith.constant 0 : i32
          %dma_wait3A_346 = tpu.memref_slice %arg5[%mul3A_2, %dma_wait3A_345] : memref<819200x128xf32, #tpu.memory_space<hbm>> -> memref<128x64xf32, #tpu.memory_space<hbm>>
          tpu.wait_dma2 semaphore(%arg32 : memref<!tpu.dma_semaphore, #tpu.memory_space<semaphore_mem>>) src(%arg8 : memref<128x64xf32, #tpu.memory_space<vmem>>) dst(%dma_wait3A_346 : memref<128x64xf32, #tpu.memory_space<hbm>>)
        } else {
        }
        %add3A_324 = arith.constant 5 : i32
        %add3A_325 = arith.addi %add3A_182, %add3A_324 : i32
        %mul3A_326 = arith.constant 128 : i32
        %mul3A_327 = arith.muli %add3A_325, %mul3A_326 : i32
        %jit3A = arith.constant 200 : i32
        %eq3A_328 = arith.constant 0 : i32
        %eq3A_329 = arith.cmpi eq, %jit3A, %eq3A_328 : i32
        %jit3A_330 = arith.constant 1 : i32
        %select_n3A = arith.select %eq3A_329, %jit3A_330, %jit3A : i32
        %rem3A = arith.remsi %mul3A_327, %select_n3A : i32
        %ne3A = arith.constant 0 : i32
        %ne3A_331 = arith.cmpi ne, %rem3A, %ne3A : i32
        %lt3A_332 = arith.constant 0 : i32
        %lt3A_333 = arith.cmpi slt, %rem3A, %lt3A_332 : i32
        %lt3A_334 = arith.constant 0 : i32
        %lt3A_335 = arith.cmpi slt, %select_n3A, %lt3A_334 : i32
        %ne3A_336 = arith.xori %lt3A_333, %lt3A_335 : i1
        %and3A = arith.andi %ne3A_336, %ne3A_331 : i1
        %add3A_337 = arith.addi %rem3A, %select_n3A : i32
        %select_n3A_338 = arith.select %and3A, %add3A_337, %rem3A : i32
        %dma_start3A_339 = arith.constant 0 : i32
        %dma_start3A_340 = tpu.memref_slice %arg7[%select_n3A_338, %dma_start3A_339] : memref<336x64xf32, #tpu.memory_space<vmem_shared>> -> memref<128x64xf32, #tpu.memory_space<vmem_shared>>
        %dma_start3A_341 = arith.constant 0 : i32
        %dma_start3A_342 = tpu.memref_slice %arg7[%select_n3A_338, %dma_start3A_341] : memref<336x64xf32, #tpu.memory_space<vmem_shared>> -> memref<128x64xf32, #tpu.memory_space<vmem_shared>>
        tpu.enqueue_dma source(%dma_start3A_342 : memref<128x64xf32, #tpu.memory_space<vmem_shared>>) target(%arg8 : memref<128x64xf32, #tpu.memory_space<vmem>>) target_semaphore(%arg16 : memref<!tpu.dma_semaphore, #tpu.memory_space<semaphore_mem>>)
      } else {
      }
      %mul3A_207 = arith.constant 8 : i32
      %mul3A_208 = arith.muli %mul3A_207, %scan3A_96 : i32
      %add3A_209 = arith.constant 4 : i32
      %add3A_210 = arith.addi %mul3A_208, %add3A_209 : i32
      %dma_wait3A_211 = arith.constant 0 : i32
      %dma_wait3A_212 = arith.constant 0 : i32
      %dma_wait3A_213 = tpu.memref_slice %arg7[%dma_wait3A_211, %dma_wait3A_212] : memref<336x64xf32, #tpu.memory_space<vmem_shared>> -> memref<128x64xf32, #tpu.memory_space<vmem_shared>>
      %dma_wait3A_214 = arith.constant 0 : i32
      %dma_wait3A_215 = arith.constant 0 : i32
      %dma_wait3A_216 = tpu.memref_slice %arg7[%dma_wait3A_214, %dma_wait3A_215] : memref<336x64xf32, #tpu.memory_space<vmem_shared>> -> memref<128x64xf32, #tpu.memory_space<vmem_shared>>
      tpu.wait_dma2 semaphore(%arg20 : memref<!tpu.dma_semaphore, #tpu.memory_space<semaphore_mem>>) src(%dma_wait3A_216 : memref<128x64xf32, #tpu.memory_space<vmem_shared>>) dst(%arg12 : memref<128x64xf32, #tpu.memory_space<vmem>>)
      %dma_start3A_217 = arith.constant 0 : i32
      %dma_start3A_218 = tpu.memref_slice %arg6[%add3A_210, %dma_start3A_217] : memref<200x128xi32, #tpu.memory_space<vmem>> -> memref<1x128xi32, #tpu.memory_space<vmem>>
      %dma_start3A_219 = tpu.memref_squeeze %dma_start3A_218 : memref<1x128xi32, #tpu.memory_space<vmem>> -> memref<128xi32, #tpu.memory_space<vmem>>
      %dma_start3A_220 = arith.constant 0 : i32
      %dma_start3A_221 = arith.constant 0 : i32
      %dma_start3A_222 = tpu.memref_slice %arg3[%dma_start3A_220, %dma_start3A_221] : memref<100000x64xf32, #tpu.memory_space<hbm>> -> memref<100000x64xf32, #tpu.memory_space<hbm>>
      tpu.enqueue_indirect_dma source(%dma_start3A_222 : memref<100000x64xf32, #tpu.memory_space<hbm>>) target(%arg12 : memref<128x64xf32, #tpu.memory_space<vmem>>) offsets(%dma_start3A_219 : memref<128xi32, #tpu.memory_space<vmem>>) semaphore(%arg28 : memref<!tpu.dma_semaphore, #tpu.memory_space<semaphore_mem>>) {add = true}
      %ge3A_223 = arith.constant 2 : i32
      %ge3A_224 = arith.cmpi sge, %add3A_210, %ge3A_223 : i32
      %convert_element_type3A_225 = arith.extui %ge3A_224 : i1 to i32
      %cond3A_226 = arith.constant 0 : i32
      %cond3A_227 = arith.cmpi ne, %convert_element_type3A_225, %cond3A_226 : i32
      scf.if %cond3A_227 {
        %dma_wait3A_319 = arith.constant 0 : i32
        %dma_wait3A_320 = arith.constant 0 : i32
        %dma_wait3A_321 = tpu.memref_slice %arg6[%dma_wait3A_319, %dma_wait3A_320] : memref<200x128xi32, #tpu.memory_space<vmem>> -> memref<1x128xi32, #tpu.memory_space<vmem>>
        %dma_wait3A_322 = tpu.memref_squeeze %dma_wait3A_321 : memref<1x128xi32, #tpu.memory_space<vmem>> -> memref<128xi32, #tpu.memory_space<vmem>>
        %dma_wait3A_323 = arith.constant 0 : i32
        %dma_wait3A_324 = arith.constant 0 : i32
        %dma_wait3A_325 = tpu.memref_slice %arg3[%dma_wait3A_323, %dma_wait3A_324] : memref<100000x64xf32, #tpu.memory_space<hbm>> -> memref<100000x64xf32, #tpu.memory_space<hbm>>
        tpu.wait_indirect_dma semaphore(%arg26 : memref<!tpu.dma_semaphore, #tpu.memory_space<semaphore_mem>>) src(%dma_wait3A_325 : memref<100000x64xf32, #tpu.memory_space<hbm>>) dst(%arg10 : memref<128x64xf32, #tpu.memory_space<vmem>>)
        %sub3A = arith.constant 2 : i32
        %sub3A_326 = arith.subi %add3A_210, %sub3A : i32
        %mul3A_327 = arith.constant 128 : i32
        %mul3A_328 = arith.muli %sub3A_326, %mul3A_327 : i32
        %add3A_329 = arith.addi %mul3A_2, %mul3A_328 : i32
        %dma_start3A_330 = arith.constant 0 : i32
        %dma_start3A_331 = tpu.memref_slice %arg5[%add3A_329, %dma_start3A_330] : memref<819200x128xf32, #tpu.memory_space<hbm>> -> memref<128x64xf32, #tpu.memory_space<hbm>>
        %dma_start3A_332 = arith.constant 0 : i32
        %dma_start3A_333 = tpu.memref_slice %arg5[%add3A_329, %dma_start3A_332] : memref<819200x128xf32, #tpu.memory_space<hbm>> -> memref<128x64xf32, #tpu.memory_space<hbm>>
        tpu.enqueue_dma source(%arg10 : memref<128x64xf32, #tpu.memory_space<vmem>>) target(%dma_start3A_333 : memref<128x64xf32, #tpu.memory_space<hbm>>) target_semaphore(%arg34 : memref<!tpu.dma_semaphore, #tpu.memory_space<semaphore_mem>>)
      } else {
      }
      %add3A_228 = arith.constant 5 : i32
      %add3A_229 = arith.addi %add3A_210, %add3A_228 : i32
      %lt3A_230 = arith.constant 200 : i32
      %lt3A_231 = arith.cmpi slt, %add3A_229, %lt3A_230 : i32
      %convert_element_type3A_232 = arith.extui %lt3A_231 : i1 to i32
      %cond3A_233 = arith.constant 0 : i32
      %cond3A_234 = arith.cmpi ne, %convert_element_type3A_232, %cond3A_233 : i32
      scf.if %cond3A_234 {
        %ge3A_319 = arith.constant 3 : i32
        %ge3A_320 = arith.cmpi sge, %add3A_210, %ge3A_319 : i32
        %convert_element_type3A_321 = arith.extui %ge3A_320 : i1 to i32
        %cond3A_322 = arith.constant 0 : i32
        %cond3A_323 = arith.cmpi ne, %convert_element_type3A_321, %cond3A_322 : i32
        scf.if %cond3A_323 {
          %dma_wait3A_343 = arith.constant 0 : i32
          %dma_wait3A_344 = tpu.memref_slice %arg5[%mul3A_2, %dma_wait3A_343] : memref<819200x128xf32, #tpu.memory_space<hbm>> -> memref<128x64xf32, #tpu.memory_space<hbm>>
          %dma_wait3A_345 = arith.constant 0 : i32
          %dma_wait3A_346 = tpu.memref_slice %arg5[%mul3A_2, %dma_wait3A_345] : memref<819200x128xf32, #tpu.memory_space<hbm>> -> memref<128x64xf32, #tpu.memory_space<hbm>>
          tpu.wait_dma2 semaphore(%arg33 : memref<!tpu.dma_semaphore, #tpu.memory_space<semaphore_mem>>) src(%arg9 : memref<128x64xf32, #tpu.memory_space<vmem>>) dst(%dma_wait3A_346 : memref<128x64xf32, #tpu.memory_space<hbm>>)
        } else {
        }
        %add3A_324 = arith.constant 5 : i32
        %add3A_325 = arith.addi %add3A_210, %add3A_324 : i32
        %mul3A_326 = arith.constant 128 : i32
        %mul3A_327 = arith.muli %add3A_325, %mul3A_326 : i32
        %jit3A = arith.constant 200 : i32
        %eq3A_328 = arith.constant 0 : i32
        %eq3A_329 = arith.cmpi eq, %jit3A, %eq3A_328 : i32
        %jit3A_330 = arith.constant 1 : i32
        %select_n3A = arith.select %eq3A_329, %jit3A_330, %jit3A : i32
        %rem3A = arith.remsi %mul3A_327, %select_n3A : i32
        %ne3A = arith.constant 0 : i32
        %ne3A_331 = arith.cmpi ne, %rem3A, %ne3A : i32
        %lt3A_332 = arith.constant 0 : i32
        %lt3A_333 = arith.cmpi slt, %rem3A, %lt3A_332 : i32
        %lt3A_334 = arith.constant 0 : i32
        %lt3A_335 = arith.cmpi slt, %select_n3A, %lt3A_334 : i32
        %ne3A_336 = arith.xori %lt3A_333, %lt3A_335 : i1
        %and3A = arith.andi %ne3A_336, %ne3A_331 : i1
        %add3A_337 = arith.addi %rem3A, %select_n3A : i32
        %select_n3A_338 = arith.select %and3A, %add3A_337, %rem3A : i32
        %dma_start3A_339 = arith.constant 0 : i32
        %dma_start3A_340 = tpu.memref_slice %arg7[%select_n3A_338, %dma_start3A_339] : memref<336x64xf32, #tpu.memory_space<vmem_shared>> -> memref<128x64xf32, #tpu.memory_space<vmem_shared>>
        %dma_start3A_341 = arith.constant 0 : i32
        %dma_start3A_342 = tpu.memref_slice %arg7[%select_n3A_338, %dma_start3A_341] : memref<336x64xf32, #tpu.memory_space<vmem_shared>> -> memref<128x64xf32, #tpu.memory_space<vmem_shared>>
        tpu.enqueue_dma source(%dma_start3A_342 : memref<128x64xf32, #tpu.memory_space<vmem_shared>>) target(%arg9 : memref<128x64xf32, #tpu.memory_space<vmem>>) target_semaphore(%arg17 : memref<!tpu.dma_semaphore, #tpu.memory_space<semaphore_mem>>)
      } else {
      }
      %mul3A_235 = arith.constant 8 : i32
      %mul3A_236 = arith.muli %mul3A_235, %scan3A_96 : i32
      %add3A_237 = arith.constant 5 : i32
      %add3A_238 = arith.addi %mul3A_236, %add3A_237 : i32
      %dma_wait3A_239 = arith.constant 0 : i32
      %dma_wait3A_240 = arith.constant 0 : i32
      %dma_wait3A_241 = tpu.memref_slice %arg7[%dma_wait3A_239, %dma_wait3A_240] : memref<336x64xf32, #tpu.memory_space<vmem_shared>> -> memref<128x64xf32, #tpu.memory_space<vmem_shared>>
      %dma_wait3A_242 = arith.constant 0 : i32
      %dma_wait3A_243 = arith.constant 0 : i32
      %dma_wait3A_244 = tpu.memref_slice %arg7[%dma_wait3A_242, %dma_wait3A_243] : memref<336x64xf32, #tpu.memory_space<vmem_shared>> -> memref<128x64xf32, #tpu.memory_space<vmem_shared>>
      tpu.wait_dma2 semaphore(%arg21 : memref<!tpu.dma_semaphore, #tpu.memory_space<semaphore_mem>>) src(%dma_wait3A_244 : memref<128x64xf32, #tpu.memory_space<vmem_shared>>) dst(%arg13 : memref<128x64xf32, #tpu.memory_space<vmem>>)
      %dma_start3A_245 = arith.constant 0 : i32
      %dma_start3A_246 = tpu.memref_slice %arg6[%add3A_238, %dma_start3A_245] : memref<200x128xi32, #tpu.memory_space<vmem>> -> memref<1x128xi32, #tpu.memory_space<vmem>>
      %dma_start3A_247 = tpu.memref_squeeze %dma_start3A_246 : memref<1x128xi32, #tpu.memory_space<vmem>> -> memref<128xi32, #tpu.memory_space<vmem>>
      %dma_start3A_248 = arith.constant 0 : i32
      %dma_start3A_249 = arith.constant 0 : i32
      %dma_start3A_250 = tpu.memref_slice %arg3[%dma_start3A_248, %dma_start3A_249] : memref<100000x64xf32, #tpu.memory_space<hbm>> -> memref<100000x64xf32, #tpu.memory_space<hbm>>
      tpu.enqueue_indirect_dma source(%dma_start3A_250 : memref<100000x64xf32, #tpu.memory_space<hbm>>) target(%arg13 : memref<128x64xf32, #tpu.memory_space<vmem>>) offsets(%dma_start3A_247 : memref<128xi32, #tpu.memory_space<vmem>>) semaphore(%arg29 : memref<!tpu.dma_semaphore, #tpu.memory_space<semaphore_mem>>) {add = true}
      %ge3A_251 = arith.constant 2 : i32
      %ge3A_252 = arith.cmpi sge, %add3A_238, %ge3A_251 : i32
      %convert_element_type3A_253 = arith.extui %ge3A_252 : i1 to i32
      %cond3A_254 = arith.constant 0 : i32
      %cond3A_255 = arith.cmpi ne, %convert_element_type3A_253, %cond3A_254 : i32
      scf.if %cond3A_255 {
        %dma_wait3A_319 = arith.constant 0 : i32
        %dma_wait3A_320 = arith.constant 0 : i32
        %dma_wait3A_321 = tpu.memref_slice %arg6[%dma_wait3A_319, %dma_wait3A_320] : memref<200x128xi32, #tpu.memory_space<vmem>> -> memref<1x128xi32, #tpu.memory_space<vmem>>
        %dma_wait3A_322 = tpu.memref_squeeze %dma_wait3A_321 : memref<1x128xi32, #tpu.memory_space<vmem>> -> memref<128xi32, #tpu.memory_space<vmem>>
        %dma_wait3A_323 = arith.constant 0 : i32
        %dma_wait3A_324 = arith.constant 0 : i32
        %dma_wait3A_325 = tpu.memref_slice %arg3[%dma_wait3A_323, %dma_wait3A_324] : memref<100000x64xf32, #tpu.memory_space<hbm>> -> memref<100000x64xf32, #tpu.memory_space<hbm>>
        tpu.wait_indirect_dma semaphore(%arg27 : memref<!tpu.dma_semaphore, #tpu.memory_space<semaphore_mem>>) src(%dma_wait3A_325 : memref<100000x64xf32, #tpu.memory_space<hbm>>) dst(%arg11 : memref<128x64xf32, #tpu.memory_space<vmem>>)
        %sub3A = arith.constant 2 : i32
        %sub3A_326 = arith.subi %add3A_238, %sub3A : i32
        %mul3A_327 = arith.constant 128 : i32
        %mul3A_328 = arith.muli %sub3A_326, %mul3A_327 : i32
        %add3A_329 = arith.addi %mul3A_2, %mul3A_328 : i32
        %dma_start3A_330 = arith.constant 0 : i32
        %dma_start3A_331 = tpu.memref_slice %arg5[%add3A_329, %dma_start3A_330] : memref<819200x128xf32, #tpu.memory_space<hbm>> -> memref<128x64xf32, #tpu.memory_space<hbm>>
        %dma_start3A_332 = arith.constant 0 : i32
        %dma_start3A_333 = tpu.memref_slice %arg5[%add3A_329, %dma_start3A_332] : memref<819200x128xf32, #tpu.memory_space<hbm>> -> memref<128x64xf32, #tpu.memory_space<hbm>>
        tpu.enqueue_dma source(%arg11 : memref<128x64xf32, #tpu.memory_space<vmem>>) target(%dma_start3A_333 : memref<128x64xf32, #tpu.memory_space<hbm>>) target_semaphore(%arg35 : memref<!tpu.dma_semaphore, #tpu.memory_space<semaphore_mem>>)
      } else {
      }
      %add3A_256 = arith.constant 5 : i32
      %add3A_257 = arith.addi %add3A_238, %add3A_256 : i32
      %lt3A_258 = arith.constant 200 : i32
      %lt3A_259 = arith.cmpi slt, %add3A_257, %lt3A_258 : i32
      %convert_element_type3A_260 = arith.extui %lt3A_259 : i1 to i32
      %cond3A_261 = arith.constant 0 : i32
      %cond3A_262 = arith.cmpi ne, %convert_element_type3A_260, %cond3A_261 : i32
      scf.if %cond3A_262 {
        %ge3A_319 = arith.constant 3 : i32
        %ge3A_320 = arith.cmpi sge, %add3A_238, %ge3A_319 : i32
        %convert_element_type3A_321 = arith.extui %ge3A_320 : i1 to i32
        %cond3A_322 = arith.constant 0 : i32
        %cond3A_323 = arith.cmpi ne, %convert_element_type3A_321, %cond3A_322 : i32
        scf.if %cond3A_323 {
          %dma_wait3A_343 = arith.constant 0 : i32
          %dma_wait3A_344 = tpu.memref_slice %arg5[%mul3A_2, %dma_wait3A_343] : memref<819200x128xf32, #tpu.memory_space<hbm>> -> memref<128x64xf32, #tpu.memory_space<hbm>>
          %dma_wait3A_345 = arith.constant 0 : i32
          %dma_wait3A_346 = tpu.memref_slice %arg5[%mul3A_2, %dma_wait3A_345] : memref<819200x128xf32, #tpu.memory_space<hbm>> -> memref<128x64xf32, #tpu.memory_space<hbm>>
          tpu.wait_dma2 semaphore(%arg34 : memref<!tpu.dma_semaphore, #tpu.memory_space<semaphore_mem>>) src(%arg10 : memref<128x64xf32, #tpu.memory_space<vmem>>) dst(%dma_wait3A_346 : memref<128x64xf32, #tpu.memory_space<hbm>>)
        } else {
        }
        %add3A_324 = arith.constant 5 : i32
        %add3A_325 = arith.addi %add3A_238, %add3A_324 : i32
        %mul3A_326 = arith.constant 128 : i32
        %mul3A_327 = arith.muli %add3A_325, %mul3A_326 : i32
        %jit3A = arith.constant 200 : i32
        %eq3A_328 = arith.constant 0 : i32
        %eq3A_329 = arith.cmpi eq, %jit3A, %eq3A_328 : i32
        %jit3A_330 = arith.constant 1 : i32
        %select_n3A = arith.select %eq3A_329, %jit3A_330, %jit3A : i32
        %rem3A = arith.remsi %mul3A_327, %select_n3A : i32
        %ne3A = arith.constant 0 : i32
        %ne3A_331 = arith.cmpi ne, %rem3A, %ne3A : i32
        %lt3A_332 = arith.constant 0 : i32
        %lt3A_333 = arith.cmpi slt, %rem3A, %lt3A_332 : i32
        %lt3A_334 = arith.constant 0 : i32
        %lt3A_335 = arith.cmpi slt, %select_n3A, %lt3A_334 : i32
        %ne3A_336 = arith.xori %lt3A_333, %lt3A_335 : i1
        %and3A = arith.andi %ne3A_336, %ne3A_331 : i1
        %add3A_337 = arith.addi %rem3A, %select_n3A : i32
        %select_n3A_338 = arith.select %and3A, %add3A_337, %rem3A : i32
        %dma_start3A_339 = arith.constant 0 : i32
        %dma_start3A_340 = tpu.memref_slice %arg7[%select_n3A_338, %dma_start3A_339] : memref<336x64xf32, #tpu.memory_space<vmem_shared>> -> memref<128x64xf32, #tpu.memory_space<vmem_shared>>
        %dma_start3A_341 = arith.constant 0 : i32
        %dma_start3A_342 = tpu.memref_slice %arg7[%select_n3A_338, %dma_start3A_341] : memref<336x64xf32, #tpu.memory_space<vmem_shared>> -> memref<128x64xf32, #tpu.memory_space<vmem_shared>>
        tpu.enqueue_dma source(%dma_start3A_342 : memref<128x64xf32, #tpu.memory_space<vmem_shared>>) target(%arg10 : memref<128x64xf32, #tpu.memory_space<vmem>>) target_semaphore(%arg18 : memref<!tpu.dma_semaphore, #tpu.memory_space<semaphore_mem>>)
      } else {
      }
      %mul3A_263 = arith.constant 8 : i32
      %mul3A_264 = arith.muli %mul3A_263, %scan3A_96 : i32
      %add3A_265 = arith.constant 6 : i32
      %add3A_266 = arith.addi %mul3A_264, %add3A_265 : i32
      %dma_wait3A_267 = arith.constant 0 : i32
      %dma_wait3A_268 = arith.constant 0 : i32
      %dma_wait3A_269 = tpu.memref_slice %arg7[%dma_wait3A_267, %dma_wait3A_268] : memref<336x64xf32, #tpu.memory_space<vmem_shared>> -> memref<128x64xf32, #tpu.memory_space<vmem_shared>>
      %dma_wait3A_270 = arith.constant 0 : i32
      %dma_wait3A_271 = arith.constant 0 : i32
      %dma_wait3A_272 = tpu.memref_slice %arg7[%dma_wait3A_270, %dma_wait3A_271] : memref<336x64xf32, #tpu.memory_space<vmem_shared>> -> memref<128x64xf32, #tpu.memory_space<vmem_shared>>
      tpu.wait_dma2 semaphore(%arg22 : memref<!tpu.dma_semaphore, #tpu.memory_space<semaphore_mem>>) src(%dma_wait3A_272 : memref<128x64xf32, #tpu.memory_space<vmem_shared>>) dst(%arg14 : memref<128x64xf32, #tpu.memory_space<vmem>>)
      %dma_start3A_273 = arith.constant 0 : i32
      %dma_start3A_274 = tpu.memref_slice %arg6[%add3A_266, %dma_start3A_273] : memref<200x128xi32, #tpu.memory_space<vmem>> -> memref<1x128xi32, #tpu.memory_space<vmem>>
      %dma_start3A_275 = tpu.memref_squeeze %dma_start3A_274 : memref<1x128xi32, #tpu.memory_space<vmem>> -> memref<128xi32, #tpu.memory_space<vmem>>
      %dma_start3A_276 = arith.constant 0 : i32
      %dma_start3A_277 = arith.constant 0 : i32
      %dma_start3A_278 = tpu.memref_slice %arg3[%dma_start3A_276, %dma_start3A_277] : memref<100000x64xf32, #tpu.memory_space<hbm>> -> memref<100000x64xf32, #tpu.memory_space<hbm>>
      tpu.enqueue_indirect_dma source(%dma_start3A_278 : memref<100000x64xf32, #tpu.memory_space<hbm>>) target(%arg14 : memref<128x64xf32, #tpu.memory_space<vmem>>) offsets(%dma_start3A_275 : memref<128xi32, #tpu.memory_space<vmem>>) semaphore(%arg30 : memref<!tpu.dma_semaphore, #tpu.memory_space<semaphore_mem>>) {add = true}
      %ge3A_279 = arith.constant 2 : i32
      %ge3A_280 = arith.cmpi sge, %add3A_266, %ge3A_279 : i32
      %convert_element_type3A_281 = arith.extui %ge3A_280 : i1 to i32
      %cond3A_282 = arith.constant 0 : i32
      %cond3A_283 = arith.cmpi ne, %convert_element_type3A_281, %cond3A_282 : i32
      scf.if %cond3A_283 {
        %dma_wait3A_319 = arith.constant 0 : i32
        %dma_wait3A_320 = arith.constant 0 : i32
        %dma_wait3A_321 = tpu.memref_slice %arg6[%dma_wait3A_319, %dma_wait3A_320] : memref<200x128xi32, #tpu.memory_space<vmem>> -> memref<1x128xi32, #tpu.memory_space<vmem>>
        %dma_wait3A_322 = tpu.memref_squeeze %dma_wait3A_321 : memref<1x128xi32, #tpu.memory_space<vmem>> -> memref<128xi32, #tpu.memory_space<vmem>>
        %dma_wait3A_323 = arith.constant 0 : i32
        %dma_wait3A_324 = arith.constant 0 : i32
        %dma_wait3A_325 = tpu.memref_slice %arg3[%dma_wait3A_323, %dma_wait3A_324] : memref<100000x64xf32, #tpu.memory_space<hbm>> -> memref<100000x64xf32, #tpu.memory_space<hbm>>
        tpu.wait_indirect_dma semaphore(%arg28 : memref<!tpu.dma_semaphore, #tpu.memory_space<semaphore_mem>>) src(%dma_wait3A_325 : memref<100000x64xf32, #tpu.memory_space<hbm>>) dst(%arg12 : memref<128x64xf32, #tpu.memory_space<vmem>>)
        %sub3A = arith.constant 2 : i32
        %sub3A_326 = arith.subi %add3A_266, %sub3A : i32
        %mul3A_327 = arith.constant 128 : i32
        %mul3A_328 = arith.muli %sub3A_326, %mul3A_327 : i32
        %add3A_329 = arith.addi %mul3A_2, %mul3A_328 : i32
        %dma_start3A_330 = arith.constant 0 : i32
        %dma_start3A_331 = tpu.memref_slice %arg5[%add3A_329, %dma_start3A_330] : memref<819200x128xf32, #tpu.memory_space<hbm>> -> memref<128x64xf32, #tpu.memory_space<hbm>>
        %dma_start3A_332 = arith.constant 0 : i32
        %dma_start3A_333 = tpu.memref_slice %arg5[%add3A_329, %dma_start3A_332] : memref<819200x128xf32, #tpu.memory_space<hbm>> -> memref<128x64xf32, #tpu.memory_space<hbm>>
        tpu.enqueue_dma source(%arg12 : memref<128x64xf32, #tpu.memory_space<vmem>>) target(%dma_start3A_333 : memref<128x64xf32, #tpu.memory_space<hbm>>) target_semaphore(%arg36 : memref<!tpu.dma_semaphore, #tpu.memory_space<semaphore_mem>>)
      } else {
      }
      %add3A_284 = arith.constant 5 : i32
      %add3A_285 = arith.addi %add3A_266, %add3A_284 : i32
      %lt3A_286 = arith.constant 200 : i32
      %lt3A_287 = arith.cmpi slt, %add3A_285, %lt3A_286 : i32
      %convert_element_type3A_288 = arith.extui %lt3A_287 : i1 to i32
      %cond3A_289 = arith.constant 0 : i32
      %cond3A_290 = arith.cmpi ne, %convert_element_type3A_288, %cond3A_289 : i32
      scf.if %cond3A_290 {
        %ge3A_319 = arith.constant 3 : i32
        %ge3A_320 = arith.cmpi sge, %add3A_266, %ge3A_319 : i32
        %convert_element_type3A_321 = arith.extui %ge3A_320 : i1 to i32
        %cond3A_322 = arith.constant 0 : i32
        %cond3A_323 = arith.cmpi ne, %convert_element_type3A_321, %cond3A_322 : i32
        scf.if %cond3A_323 {
          %dma_wait3A_343 = arith.constant 0 : i32
          %dma_wait3A_344 = tpu.memref_slice %arg5[%mul3A_2, %dma_wait3A_343] : memref<819200x128xf32, #tpu.memory_space<hbm>> -> memref<128x64xf32, #tpu.memory_space<hbm>>
          %dma_wait3A_345 = arith.constant 0 : i32
          %dma_wait3A_346 = tpu.memref_slice %arg5[%mul3A_2, %dma_wait3A_345] : memref<819200x128xf32, #tpu.memory_space<hbm>> -> memref<128x64xf32, #tpu.memory_space<hbm>>
          tpu.wait_dma2 semaphore(%arg35 : memref<!tpu.dma_semaphore, #tpu.memory_space<semaphore_mem>>) src(%arg11 : memref<128x64xf32, #tpu.memory_space<vmem>>) dst(%dma_wait3A_346 : memref<128x64xf32, #tpu.memory_space<hbm>>)
        } else {
        }
        %add3A_324 = arith.constant 5 : i32
        %add3A_325 = arith.addi %add3A_266, %add3A_324 : i32
        %mul3A_326 = arith.constant 128 : i32
        %mul3A_327 = arith.muli %add3A_325, %mul3A_326 : i32
        %jit3A = arith.constant 200 : i32
        %eq3A_328 = arith.constant 0 : i32
        %eq3A_329 = arith.cmpi eq, %jit3A, %eq3A_328 : i32
        %jit3A_330 = arith.constant 1 : i32
        %select_n3A = arith.select %eq3A_329, %jit3A_330, %jit3A : i32
        %rem3A = arith.remsi %mul3A_327, %select_n3A : i32
        %ne3A = arith.constant 0 : i32
        %ne3A_331 = arith.cmpi ne, %rem3A, %ne3A : i32
        %lt3A_332 = arith.constant 0 : i32
        %lt3A_333 = arith.cmpi slt, %rem3A, %lt3A_332 : i32
        %lt3A_334 = arith.constant 0 : i32
        %lt3A_335 = arith.cmpi slt, %select_n3A, %lt3A_334 : i32
        %ne3A_336 = arith.xori %lt3A_333, %lt3A_335 : i1
        %and3A = arith.andi %ne3A_336, %ne3A_331 : i1
        %add3A_337 = arith.addi %rem3A, %select_n3A : i32
        %select_n3A_338 = arith.select %and3A, %add3A_337, %rem3A : i32
        %dma_start3A_339 = arith.constant 0 : i32
        %dma_start3A_340 = tpu.memref_slice %arg7[%select_n3A_338, %dma_start3A_339] : memref<336x64xf32, #tpu.memory_space<vmem_shared>> -> memref<128x64xf32, #tpu.memory_space<vmem_shared>>
        %dma_start3A_341 = arith.constant 0 : i32
        %dma_start3A_342 = tpu.memref_slice %arg7[%select_n3A_338, %dma_start3A_341] : memref<336x64xf32, #tpu.memory_space<vmem_shared>> -> memref<128x64xf32, #tpu.memory_space<vmem_shared>>
        tpu.enqueue_dma source(%dma_start3A_342 : memref<128x64xf32, #tpu.memory_space<vmem_shared>>) target(%arg11 : memref<128x64xf32, #tpu.memory_space<vmem>>) target_semaphore(%arg19 : memref<!tpu.dma_semaphore, #tpu.memory_space<semaphore_mem>>)
      } else {
      }
      %mul3A_291 = arith.constant 8 : i32
      %mul3A_292 = arith.muli %mul3A_291, %scan3A_96 : i32
      %add3A_293 = arith.constant 7 : i32
      %add3A_294 = arith.addi %mul3A_292, %add3A_293 : i32
      %dma_wait3A_295 = arith.constant 0 : i32
      %dma_wait3A_296 = arith.constant 0 : i32
      %dma_wait3A_297 = tpu.memref_slice %arg7[%dma_wait3A_295, %dma_wait3A_296] : memref<336x64xf32, #tpu.memory_space<vmem_shared>> -> memref<128x64xf32, #tpu.memory_space<vmem_shared>>
      %dma_wait3A_298 = arith.constant 0 : i32
      %dma_wait3A_299 = arith.constant 0 : i32
      %dma_wait3A_300 = tpu.memref_slice %arg7[%dma_wait3A_298, %dma_wait3A_299] : memref<336x64xf32, #tpu.memory_space<vmem_shared>> -> memref<128x64xf32, #tpu.memory_space<vmem_shared>>
      tpu.wait_dma2 semaphore(%arg23 : memref<!tpu.dma_semaphore, #tpu.memory_space<semaphore_mem>>) src(%dma_wait3A_300 : memref<128x64xf32, #tpu.memory_space<vmem_shared>>) dst(%arg15 : memref<128x64xf32, #tpu.memory_space<vmem>>)
      %dma_start3A_301 = arith.constant 0 : i32
      %dma_start3A_302 = tpu.memref_slice %arg6[%add3A_294, %dma_start3A_301] : memref<200x128xi32, #tpu.memory_space<vmem>> -> memref<1x128xi32, #tpu.memory_space<vmem>>
      %dma_start3A_303 = tpu.memref_squeeze %dma_start3A_302 : memref<1x128xi32, #tpu.memory_space<vmem>> -> memref<128xi32, #tpu.memory_space<vmem>>
      %dma_start3A_304 = arith.constant 0 : i32
      %dma_start3A_305 = arith.constant 0 : i32
      %dma_start3A_306 = tpu.memref_slice %arg3[%dma_start3A_304, %dma_start3A_305] : memref<100000x64xf32, #tpu.memory_space<hbm>> -> memref<100000x64xf32, #tpu.memory_space<hbm>>
      tpu.enqueue_indirect_dma source(%dma_start3A_306 : memref<100000x64xf32, #tpu.memory_space<hbm>>) target(%arg15 : memref<128x64xf32, #tpu.memory_space<vmem>>) offsets(%dma_start3A_303 : memref<128xi32, #tpu.memory_space<vmem>>) semaphore(%arg31 : memref<!tpu.dma_semaphore, #tpu.memory_space<semaphore_mem>>) {add = true}
      %ge3A_307 = arith.constant 2 : i32
      %ge3A_308 = arith.cmpi sge, %add3A_294, %ge3A_307 : i32
      %convert_element_type3A_309 = arith.extui %ge3A_308 : i1 to i32
      %cond3A_310 = arith.constant 0 : i32
      %cond3A_311 = arith.cmpi ne, %convert_element_type3A_309, %cond3A_310 : i32
      scf.if %cond3A_311 {
        %dma_wait3A_319 = arith.constant 0 : i32
        %dma_wait3A_320 = arith.constant 0 : i32
        %dma_wait3A_321 = tpu.memref_slice %arg6[%dma_wait3A_319, %dma_wait3A_320] : memref<200x128xi32, #tpu.memory_space<vmem>> -> memref<1x128xi32, #tpu.memory_space<vmem>>
        %dma_wait3A_322 = tpu.memref_squeeze %dma_wait3A_321 : memref<1x128xi32, #tpu.memory_space<vmem>> -> memref<128xi32, #tpu.memory_space<vmem>>
        %dma_wait3A_323 = arith.constant 0 : i32
        %dma_wait3A_324 = arith.constant 0 : i32
        %dma_wait3A_325 = tpu.memref_slice %arg3[%dma_wait3A_323, %dma_wait3A_324] : memref<100000x64xf32, #tpu.memory_space<hbm>> -> memref<100000x64xf32, #tpu.memory_space<hbm>>
        tpu.wait_indirect_dma semaphore(%arg29 : memref<!tpu.dma_semaphore, #tpu.memory_space<semaphore_mem>>) src(%dma_wait3A_325 : memref<100000x64xf32, #tpu.memory_space<hbm>>) dst(%arg13 : memref<128x64xf32, #tpu.memory_space<vmem>>)
        %sub3A = arith.constant 2 : i32
        %sub3A_326 = arith.subi %add3A_294, %sub3A : i32
        %mul3A_327 = arith.constant 128 : i32
        %mul3A_328 = arith.muli %sub3A_326, %mul3A_327 : i32
        %add3A_329 = arith.addi %mul3A_2, %mul3A_328 : i32
        %dma_start3A_330 = arith.constant 0 : i32
        %dma_start3A_331 = tpu.memref_slice %arg5[%add3A_329, %dma_start3A_330] : memref<819200x128xf32, #tpu.memory_space<hbm>> -> memref<128x64xf32, #tpu.memory_space<hbm>>
        %dma_start3A_332 = arith.constant 0 : i32
        %dma_start3A_333 = tpu.memref_slice %arg5[%add3A_329, %dma_start3A_332] : memref<819200x128xf32, #tpu.memory_space<hbm>> -> memref<128x64xf32, #tpu.memory_space<hbm>>
        tpu.enqueue_dma source(%arg13 : memref<128x64xf32, #tpu.memory_space<vmem>>) target(%dma_start3A_333 : memref<128x64xf32, #tpu.memory_space<hbm>>) target_semaphore(%arg37 : memref<!tpu.dma_semaphore, #tpu.memory_space<semaphore_mem>>)
      } else {
      }
      %add3A_312 = arith.constant 5 : i32
      %add3A_313 = arith.addi %add3A_294, %add3A_312 : i32
      %lt3A_314 = arith.constant 200 : i32
      %lt3A_315 = arith.cmpi slt, %add3A_313, %lt3A_314 : i32
      %convert_element_type3A_316 = arith.extui %lt3A_315 : i1 to i32
      %cond3A_317 = arith.constant 0 : i32
      %cond3A_318 = arith.cmpi ne, %convert_element_type3A_316, %cond3A_317 : i32
      scf.if %cond3A_318 {
        %ge3A_319 = arith.constant 3 : i32
        %ge3A_320 = arith.cmpi sge, %add3A_294, %ge3A_319 : i32
        %convert_element_type3A_321 = arith.extui %ge3A_320 : i1 to i32
        %cond3A_322 = arith.constant 0 : i32
        %cond3A_323 = arith.cmpi ne, %convert_element_type3A_321, %cond3A_322 : i32
        scf.if %cond3A_323 {
          %dma_wait3A_343 = arith.constant 0 : i32
          %dma_wait3A_344 = tpu.memref_slice %arg5[%mul3A_2, %dma_wait3A_343] : memref<819200x128xf32, #tpu.memory_space<hbm>> -> memref<128x64xf32, #tpu.memory_space<hbm>>
          %dma_wait3A_345 = arith.constant 0 : i32
          %dma_wait3A_346 = tpu.memref_slice %arg5[%mul3A_2, %dma_wait3A_345] : memref<819200x128xf32, #tpu.memory_space<hbm>> -> memref<128x64xf32, #tpu.memory_space<hbm>>
          tpu.wait_dma2 semaphore(%arg36 : memref<!tpu.dma_semaphore, #tpu.memory_space<semaphore_mem>>) src(%arg12 : memref<128x64xf32, #tpu.memory_space<vmem>>) dst(%dma_wait3A_346 : memref<128x64xf32, #tpu.memory_space<hbm>>)
        } else {
        }
        %add3A_324 = arith.constant 5 : i32
        %add3A_325 = arith.addi %add3A_294, %add3A_324 : i32
        %mul3A_326 = arith.constant 128 : i32
        %mul3A_327 = arith.muli %add3A_325, %mul3A_326 : i32
        %jit3A = arith.constant 200 : i32
        %eq3A_328 = arith.constant 0 : i32
        %eq3A_329 = arith.cmpi eq, %jit3A, %eq3A_328 : i32
        %jit3A_330 = arith.constant 1 : i32
        %select_n3A = arith.select %eq3A_329, %jit3A_330, %jit3A : i32
        %rem3A = arith.remsi %mul3A_327, %select_n3A : i32
        %ne3A = arith.constant 0 : i32
        %ne3A_331 = arith.cmpi ne, %rem3A, %ne3A : i32
        %lt3A_332 = arith.constant 0 : i32
        %lt3A_333 = arith.cmpi slt, %rem3A, %lt3A_332 : i32
        %lt3A_334 = arith.constant 0 : i32
        %lt3A_335 = arith.cmpi slt, %select_n3A, %lt3A_334 : i32
        %ne3A_336 = arith.xori %lt3A_333, %lt3A_335 : i1
        %and3A = arith.andi %ne3A_336, %ne3A_331 : i1
        %add3A_337 = arith.addi %rem3A, %select_n3A : i32
        %select_n3A_338 = arith.select %and3A, %add3A_337, %rem3A : i32
        %dma_start3A_339 = arith.constant 0 : i32
        %dma_start3A_340 = tpu.memref_slice %arg7[%select_n3A_338, %dma_start3A_339] : memref<336x64xf32, #tpu.memory_space<vmem_shared>> -> memref<128x64xf32, #tpu.memory_space<vmem_shared>>
        %dma_start3A_341 = arith.constant 0 : i32
        %dma_start3A_342 = tpu.memref_slice %arg7[%select_n3A_338, %dma_start3A_341] : memref<336x64xf32, #tpu.memory_space<vmem_shared>> -> memref<128x64xf32, #tpu.memory_space<vmem_shared>>
        tpu.enqueue_dma source(%dma_start3A_342 : memref<128x64xf32, #tpu.memory_space<vmem_shared>>) target(%arg12 : memref<128x64xf32, #tpu.memory_space<vmem>>) target_semaphore(%arg20 : memref<!tpu.dma_semaphore, #tpu.memory_space<semaphore_mem>>)
      } else {
      }
    }
    %scan3A_38 = arith.constant 25 : i32
    %dma_wait3A = arith.constant 0 : i32
    %dma_wait3A_39 = arith.constant 0 : i32
    %dma_wait3A_40 = tpu.memref_slice %arg6[%dma_wait3A, %dma_wait3A_39] : memref<200x128xi32, #tpu.memory_space<vmem>> -> memref<1x128xi32, #tpu.memory_space<vmem>>
    %dma_wait3A_41 = tpu.memref_squeeze %dma_wait3A_40 : memref<1x128xi32, #tpu.memory_space<vmem>> -> memref<128xi32, #tpu.memory_space<vmem>>
    %dma_wait3A_42 = arith.constant 0 : i32
    %dma_wait3A_43 = arith.constant 0 : i32
    %dma_wait3A_44 = tpu.memref_slice %arg3[%dma_wait3A_42, %dma_wait3A_43] : memref<100000x64xf32, #tpu.memory_space<hbm>> -> memref<100000x64xf32, #tpu.memory_space<hbm>>
    tpu.wait_indirect_dma semaphore(%arg30 : memref<!tpu.dma_semaphore, #tpu.memory_space<semaphore_mem>>) src(%dma_wait3A_44 : memref<100000x64xf32, #tpu.memory_space<hbm>>) dst(%arg14 : memref<128x64xf32, #tpu.memory_space<vmem>>)
    %add3A_45 = arith.constant 25344 : i32
    %add3A_46 = arith.addi %mul3A_2, %add3A_45 : i32
    %dma_start3A_47 = arith.constant 0 : i32
    %dma_start3A_48 = tpu.memref_slice %arg5[%add3A_46, %dma_start3A_47] : memref<819200x128xf32, #tpu.memory_space<hbm>> -> memref<128x64xf32, #tpu.memory_space<hbm>>
    %dma_start3A_49 = arith.constant 0 : i32
    %dma_start3A_50 = tpu.memref_slice %arg5[%add3A_46, %dma_start3A_49] : memref<819200x128xf32, #tpu.memory_space<hbm>> -> memref<128x64xf32, #tpu.memory_space<hbm>>
    tpu.enqueue_dma source(%arg14 : memref<128x64xf32, #tpu.memory_space<vmem>>) target(%dma_start3A_50 : memref<128x64xf32, #tpu.memory_space<hbm>>) target_semaphore(%arg38 : memref<!tpu.dma_semaphore, #tpu.memory_space<semaphore_mem>>)
    %dma_wait3A_51 = arith.constant 0 : i32
    %dma_wait3A_52 = arith.constant 0 : i32
    %dma_wait3A_53 = tpu.memref_slice %arg6[%dma_wait3A_51, %dma_wait3A_52] : memref<200x128xi32, #tpu.memory_space<vmem>> -> memref<1x128xi32, #tpu.memory_space<vmem>>
    %dma_wait3A_54 = tpu.memref_squeeze %dma_wait3A_53 : memref<1x128xi32, #tpu.memory_space<vmem>> -> memref<128xi32, #tpu.memory_space<vmem>>
    %dma_wait3A_55 = arith.constant 0 : i32
    %dma_wait3A_56 = arith.constant 0 : i32
    %dma_wait3A_57 = tpu.memref_slice %arg3[%dma_wait3A_55, %dma_wait3A_56] : memref<100000x64xf32, #tpu.memory_space<hbm>> -> memref<100000x64xf32, #tpu.memory_space<hbm>>
    tpu.wait_indirect_dma semaphore(%arg31 : memref<!tpu.dma_semaphore, #tpu.memory_space<semaphore_mem>>) src(%dma_wait3A_57 : memref<100000x64xf32, #tpu.memory_space<hbm>>) dst(%arg15 : memref<128x64xf32, #tpu.memory_space<vmem>>)
    %add3A_58 = arith.constant 25472 : i32
    %add3A_59 = arith.addi %mul3A_2, %add3A_58 : i32
    %dma_start3A_60 = arith.constant 0 : i32
    %dma_start3A_61 = tpu.memref_slice %arg5[%add3A_59, %dma_start3A_60] : memref<819200x128xf32, #tpu.memory_space<hbm>> -> memref<128x64xf32, #tpu.memory_space<hbm>>
    %dma_start3A_62 = arith.constant 0 : i32
    %dma_start3A_63 = tpu.memref_slice %arg5[%add3A_59, %dma_start3A_62] : memref<819200x128xf32, #tpu.memory_space<hbm>> -> memref<128x64xf32, #tpu.memory_space<hbm>>
    tpu.enqueue_dma source(%arg15 : memref<128x64xf32, #tpu.memory_space<vmem>>) target(%dma_start3A_63 : memref<128x64xf32, #tpu.memory_space<hbm>>) target_semaphore(%arg39 : memref<!tpu.dma_semaphore, #tpu.memory_space<semaphore_mem>>)
    %dma_wait3A_64 = arith.constant 0 : i32
    %dma_wait3A_65 = tpu.memref_slice %arg5[%mul3A_2, %dma_wait3A_64] : memref<819200x128xf32, #tpu.memory_space<hbm>> -> memref<128x64xf32, #tpu.memory_space<hbm>>
    %dma_wait3A_66 = arith.constant 0 : i32
    %dma_wait3A_67 = tpu.memref_slice %arg5[%mul3A_2, %dma_wait3A_66] : memref<819200x128xf32, #tpu.memory_space<hbm>> -> memref<128x64xf32, #tpu.memory_space<hbm>>
    tpu.wait_dma2 semaphore(%arg32 : memref<!tpu.dma_semaphore, #tpu.memory_space<semaphore_mem>>) src(%arg8 : memref<128x64xf32, #tpu.memory_space<vmem>>) dst(%dma_wait3A_67 : memref<128x64xf32, #tpu.memory_space<hbm>>)
    %dma_wait3A_68 = arith.constant 0 : i32
    %dma_wait3A_69 = tpu.memref_slice %arg5[%mul3A_2, %dma_wait3A_68] : memref<819200x128xf32, #tpu.memory_space<hbm>> -> memref<128x64xf32, #tpu.memory_space<hbm>>
    %dma_wait3A_70 = arith.constant 0 : i32
    %dma_wait3A_71 = tpu.memref_slice %arg5[%mul3A_2, %dma_wait3A_70] : memref<819200x128xf32, #tpu.memory_space<hbm>> -> memref<128x64xf32, #tpu.memory_space<hbm>>
    tpu.wait_dma2 semaphore(%arg33 : memref<!tpu.dma_semaphore, #tpu.memory_space<semaphore_mem>>) src(%arg9 : memref<128x64xf32, #tpu.memory_space<vmem>>) dst(%dma_wait3A_71 : memref<128x64xf32, #tpu.memory_space<hbm>>)
    %dma_wait3A_72 = arith.constant 0 : i32
    %dma_wait3A_73 = tpu.memref_slice %arg5[%mul3A_2, %dma_wait3A_72] : memref<819200x128xf32, #tpu.memory_space<hbm>> -> memref<128x64xf32, #tpu.memory_space<hbm>>
    %dma_wait3A_74 = arith.constant 0 : i32
    %dma_wait3A_75 = tpu.memref_slice %arg5[%mul3A_2, %dma_wait3A_74] : memref<819200x128xf32, #tpu.memory_space<hbm>> -> memref<128x64xf32, #tpu.memory_space<hbm>>
    tpu.wait_dma2 semaphore(%arg34 : memref<!tpu.dma_semaphore, #tpu.memory_space<semaphore_mem>>) src(%arg10 : memref<128x64xf32, #tpu.memory_space<vmem>>) dst(%dma_wait3A_75 : memref<128x64xf32, #tpu.memory_space<hbm>>)
    %dma_wait3A_76 = arith.constant 0 : i32
    %dma_wait3A_77 = tpu.memref_slice %arg5[%mul3A_2, %dma_wait3A_76] : memref<819200x128xf32, #tpu.memory_space<hbm>> -> memref<128x64xf32, #tpu.memory_space<hbm>>
    %dma_wait3A_78 = arith.constant 0 : i32
    %dma_wait3A_79 = tpu.memref_slice %arg5[%mul3A_2, %dma_wait3A_78] : memref<819200x128xf32, #tpu.memory_space<hbm>> -> memref<128x64xf32, #tpu.memory_space<hbm>>
    tpu.wait_dma2 semaphore(%arg35 : memref<!tpu.dma_semaphore, #tpu.memory_space<semaphore_mem>>) src(%arg11 : memref<128x64xf32, #tpu.memory_space<vmem>>) dst(%dma_wait3A_79 : memref<128x64xf32, #tpu.memory_space<hbm>>)
    %dma_wait3A_80 = arith.constant 0 : i32
    %dma_wait3A_81 = tpu.memref_slice %arg5[%mul3A_2, %dma_wait3A_80] : memref<819200x128xf32, #tpu.memory_space<hbm>> -> memref<128x64xf32, #tpu.memory_space<hbm>>
    %dma_wait3A_82 = arith.constant 0 : i32
    %dma_wait3A_83 = tpu.memref_slice %arg5[%mul3A_2, %dma_wait3A_82] : memref<819200x128xf32, #tpu.memory_space<hbm>> -> memref<128x64xf32, #tpu.memory_space<hbm>>
    tpu.wait_dma2 semaphore(%arg36 : memref<!tpu.dma_semaphore, #tpu.memory_space<semaphore_mem>>) src(%arg12 : memref<128x64xf32, #tpu.memory_space<vmem>>) dst(%dma_wait3A_83 : memref<128x64xf32, #tpu.memory_space<hbm>>)
    %dma_wait3A_84 = arith.constant 0 : i32
    %dma_wait3A_85 = tpu.memref_slice %arg5[%mul3A_2, %dma_wait3A_84] : memref<819200x128xf32, #tpu.memory_space<hbm>> -> memref<128x64xf32, #tpu.memory_space<hbm>>
    %dma_wait3A_86 = arith.constant 0 : i32
    %dma_wait3A_87 = tpu.memref_slice %arg5[%mul3A_2, %dma_wait3A_86] : memref<819200x128xf32, #tpu.memory_space<hbm>> -> memref<128x64xf32, #tpu.memory_space<hbm>>
    tpu.wait_dma2 semaphore(%arg37 : memref<!tpu.dma_semaphore, #tpu.memory_space<semaphore_mem>>) src(%arg13 : memref<128x64xf32, #tpu.memory_space<vmem>>) dst(%dma_wait3A_87 : memref<128x64xf32, #tpu.memory_space<hbm>>)
    %dma_wait3A_88 = arith.constant 0 : i32
    %dma_wait3A_89 = tpu.memref_slice %arg5[%mul3A_2, %dma_wait3A_88] : memref<819200x128xf32, #tpu.memory_space<hbm>> -> memref<128x64xf32, #tpu.memory_space<hbm>>
    %dma_wait3A_90 = arith.constant 0 : i32
    %dma_wait3A_91 = tpu.memref_slice %arg5[%mul3A_2, %dma_wait3A_90] : memref<819200x128xf32, #tpu.memory_space<hbm>> -> memref<128x64xf32, #tpu.memory_space<hbm>>
    tpu.wait_dma2 semaphore(%arg38 : memref<!tpu.dma_semaphore, #tpu.memory_space<semaphore_mem>>) src(%arg14 : memref<128x64xf32, #tpu.memory_space<vmem>>) dst(%dma_wait3A_91 : memref<128x64xf32, #tpu.memory_space<hbm>>)
    %dma_wait3A_92 = arith.constant 0 : i32
    %dma_wait3A_93 = tpu.memref_slice %arg5[%mul3A_2, %dma_wait3A_92] : memref<819200x128xf32, #tpu.memory_space<hbm>> -> memref<128x64xf32, #tpu.memory_space<hbm>>
    %dma_wait3A_94 = arith.constant 0 : i32
    %dma_wait3A_95 = tpu.memref_slice %arg5[%mul3A_2, %dma_wait3A_94] : memref<819200x128xf32, #tpu.memory_space<hbm>> -> memref<128x64xf32, #tpu.memory_space<hbm>>
    tpu.wait_dma2 semaphore(%arg39 : memref<!tpu.dma_semaphore, #tpu.memory_space<semaphore_mem>>) src(%arg15 : memref<128x64xf32, #tpu.memory_space<vmem>>) dst(%dma_wait3A_95 : memref<128x64xf32, #tpu.memory_space<hbm>>)
    return
  }
}

</mosaic_0001>

<sc_bundles>
// kernel: kernel.3.cloned.1.call-start
scs
__scs_entry_jumppad:
0x0: {  	(pc) =	sbr.rel $0x88, $3  }
0x1: {  	(tag) =	ssettag $0x0;
	lr =	simm.s32 $0x1  }
0x2: {  	[smem:$0x3F9E] =	sst lr;
	_ =	strace $0xD0000000  }
0x3: {  	_ = 	snop  }
0x4: {  	_ = 	snop  }
0x5: {  	_ = 	snop  }
0x6: {  	_ = 	snop  }
0x7: {  	_ = 	snop  }
__scs_overlays_trampoline_lowered:
0x8: {  	[smem:$0x3FAD] =	sst s0  }
0x9: {  	[smem:$0x3FAE] =	sst s1  }
0xa: {  	[smem:$0x3FAF] =	sst s2  }
0xb: {  	[smem:$0x3FB0] =	sst s3  }
0xc: {  	[smem:$0x3FB1] =	sst s4  }
0xd: {  	[smem:$0x3FB2] =	sst s5  }
0xe: {  	[smem:$0x3FB3] =	sst s6  }
0xf: {  	[smem:$0x3FB4] =	sst s7  }
0x10: {  	[smem:$0x3FB5] =	sst s8  }
0x11: {  	[smem:$0x3FB6] =	sst s9;
	s0 =	simm.s32 @!p0 $0x0  }
0x12: {  	s1 =	sld [smem:$0x3F9C];
	s0 =	simm.s32 @p0 $0x1  }
0x13: {  	[smem:$0x3FB7] =	sst s0;
	s0 =	simm.s32 @!p1 $0x0  }
0x14: {  	s2 =	sld [smem:$0x3F9B];
	s0 =	simm.s32 @p1 $0x1  }
0x15: {  	[smem:$0x3FB8] =	sst s0;
	s0 =	simm.s32 @!p2 $0x0  }
0x16: {  	s3 =	sld [smem:$0x3FDB];
	s0 =	simm.s32 @p2 $0x1  }
0x17: {  	s4 =	simm.s32 $0x1BF5;
	[smem:$0x3FBA] =	sst s0  }
0x18: {  	s0 =	sld [smem:$0x3F9D];
	_ =	swait.ge [sflag:s4], $0x0  }
0x19: {  	s7 =	sld [smem:$0x3F9E]  }
0x1a: {  	s8 =	sadd.s32 $0xFFFFE003, lr  }
0x1b: {  	s9 =	sadd.s32 $0xFFFFFEF7, lr;
	s5 =	simm.s32 $0xFFFFFFFF;
	p2 =	slt.u32 s8, $0xFFFFF086  }
0x1c: {  	p1 =	slt.u32 s9, $0xF7A;
	s5 =	simm.s32 @!p2 $0x0  }
0x1d: {  	s5 =	simm.s32 @p1 $0x1;
	p0 =	seq.s32 s7, s2  }
0x1e: {  	s7 =	smul.u32 @!p0 $0xF7A, s2;
	p2 =	seq.s32 @!p0 s5, $0x0  }
0x1f: {  	s9 =	smul.u32 $0xF7A, s1;
	s8 =	simm.s32 @!p0 $0x1BF5;
	p2 =	por !p2, p0  }
0x20: {  	[sflag:s8] =	ssyncset.s32 @!p0 $0xFFFFF086;
	s6 =	sadd.s32 @!p0 s3, s7;
	s7 =	simm.s32 @!p0 $0x108  }
0x21: {  	s3 =	sadd.s32 s3, s9;
	s6 =	sadd.s32 @!p0 $0x88, s6;
	s7 =	simm.s32 @p2 $0x1082  }
0x22: {  	[simem:s7], [sflag:s8] =	dma.local @!p0 [hbm:s6], $0xF7A  }
0x23: {  	s9 =	sor.u32 $0xD0000000, s2;
	s6 =	simm.s32 $0x108;
	_ =	swait.ge @!p0 [sflag:s8], $0x0  }
0x24: {  	s3 =	sadd.s32 $0x88, s3;
	s6 =	simm.s32 @!p1 $0x1082;
	[sflag:s4] =	ssyncset.s32 $0xFFFFF086  }
0x25: {  	[simem:s6], [sflag:s4] =	dma.local [hbm:s3], $0xF7A  }
0x26: {  	[smem:$0x3F9E] =	sst s1;
	(tag) =	ssettag s2;
	_ =	strace s9  }
0x27: {  	s1 =	sld [smem:$0x3FAE]  }
0x28: {  	s2 =	sld [smem:$0x3FAF]  }
0x29: {  	s4 =	sld [smem:$0x3FB1]  }
0x2a: {  	p0 =	seq.s32 s5, $0x0;
	s5 =	sld [smem:$0x3FB2]  }
0x2b: {  	s6 =	sld [smem:$0x3FB3]  }
0x2c: {  	s7 =	sld [smem:$0x3FB4]  }
0x2d: {  	s3 =	simm.s32 $0x108;
	s8 =	sld [smem:$0x3FB5]  }
0x2e: {  	s3 =	simm.s32 @!p0 $0x1082;
	s9 =	sld [smem:$0x3FB6]  }
0x2f: {  	lr =	sadd.s32 s0, s3;
	s0 =	sld [smem:$0x3FAD]  }
0x30: {  	s3 =	sld [smem:$0x3FB0]  }
0x31: {  	[smem:$0x3FB9] =	sst s10  }
0x32: {  	s10 =	sld [smem:$0x3FB7];
	_ =	sdelay $0x3  }
0x33: {  	p0 =	seq.s32 s10, $0x1;
	s10 =	sld [smem:$0x3FB9];
	_ =	sdelay $0x3  }
0x34: {  	[smem:$0x3FB9] =	sst s10  }
0x35: {  	s10 =	sld [smem:$0x3FB8];
	_ =	sdelay $0x3  }
0x36: {  	p1 =	seq.s32 s10, $0x1;
	s10 =	sld [smem:$0x3FB9];
	_ =	sdelay $0x3  }
0x37: {  	[smem:$0x3FB9] =	sst s10  }
0x38: {  	s10 =	sld [smem:$0x3FBA]  }
0x39: {  	_ = 	snop;
	(pc) =	sbr.ind lr, $3  }
0x3a: {  	_ = 	snop  }
0x3b: {  	_ = 	snop  }
0x3c: {  	p2 =	seq.s32 s10, $0x1;
	s10 =	sld [smem:$0x3FB9]  }
0x3d: {  	_ =	shalt  }
0x3e: {  	_ =	shalt  }
0x3f: {  	_ =	shalt  }
0x40: {  	_ =	shalt  }
0x41: {  	_ =	shalt  }
0x42: {  	_ =	shalt  }
0x43: {  	_ =	shalt  }
0x44: {  	_ =	shalt  }
0x45: {  	_ =	shalt  }
0x46: {  	_ =	shalt  }
0x47: {  	_ =	shalt  }
0x48: {  	_ =	shalt  }
0x49: {  	_ =	shalt  }
0x4a: {  	_ =	shalt  }
0x4b: {  	_ =	shalt  }
0x4c: {  	_ =	shalt  }
0x4d: {  	_ =	shalt  }
0x4e: {  	_ =	shalt  }
0x4f: {  	_ =	shalt  }
0x50: {  	_ =	shalt  }
0x51: {  	_ =	shalt  }
0x52: {  	_ =	shalt  }
0x53: {  	_ =	shalt  }
0x54: {  	_ =	shalt  }
0x55: {  	_ =	shalt  }
0x56: {  	_ =	shalt  }
0x57: {  	_ =	shalt  }
0x58: {  	_ =	shalt  }
0x59: {  	_ =	shalt  }
0x5a: {  	_ =	shalt  }
0x5b: {  	_ =	shalt  }
0x5c: {  	_ =	shalt  }
0x5d: {  	_ =	shalt  }
0x5e: {  	_ =	shalt  }
0x5f: {  	_ =	shalt  }
0x60: {  	_ =	shalt  }
0x61: {  	_ =	shalt  }
0x62: {  	_ =	shalt  }
0x63: {  	_ =	shalt  }
0x64: {  	_ =	shalt  }
0x65: {  	_ =	shalt  }
0x66: {  	_ =	shalt  }
0x67: {  	_ =	shalt  }
0x68: {  	_ =	shalt  }
0x69: {  	_ =	shalt  }
0x6a: {  	_ =	shalt  }
0x6b: {  	_ =	shalt  }
0x6c: {  	_ =	shalt  }
0x6d: {  	_ =	shalt  }
0x6e: {  	_ =	shalt  }
0x6f: {  	_ =	shalt  }
0x70: {  	_ =	shalt  }
0x71: {  	_ =	shalt  }
0x72: {  	_ =	shalt  }
0x73: {  	_ =	shalt  }
0x74: {  	_ =	shalt  }
0x75: {  	_ =	shalt  }
0x76: {  	_ =	shalt  }
0x77: {  	_ =	shalt  }
0x78: {  	_ =	shalt  }
0x79: {  	_ =	shalt  }
0x7a: {  	_ =	shalt  }
0x7b: {  	_ =	shalt  }
0x7c: {  	_ =	shalt  }
0x7d: {  	_ =	shalt  }
0x7e: {  	_ =	shalt  }
0x7f: {  	_ =	shalt  }
0x80: {  	_ =	shalt  }
0x81: {  	_ =	shalt  }
0x82: {  	_ =	shalt  }
0x83: {  	_ =	shalt  }
0x84: {  	_ =	shalt  }
0x85: {  	_ =	shalt  }
0x86: {  	_ =	shalt  }
0x87: {  	_ =	shalt  }
.Lfunc_end0:
.L_simem_size_0:
called_computation.1_lowered:
.L_overlay_start_0:
0x88: {  	s2 =	sld [smem:$0x3FD9]  }
0x89: {  	s3 =	sld [smem:$0x3FFE];
	_ =	sdelay $0x1  }
0x8a: {  	s1 =	srdreg.scid  }
0x8b: {  	s0 =	sand.u32 $0x1, s1  }
0x8c: {  	s16 =	sshll.u32 s0, $0xA;
	s2 =	sadd.s32 s3, s2  }
0x8d: {  	s2 =	sadd.s32 s2, s16  }
0x8e: {  	[smem:$0x3FC5] =	sst s2  }
0x8f: {  	_ = 	snop  }
0x90: {  	(tm) =	ssettm $0x1  }
0x91: {  	s17 =	sld [smem:$0x3FFB];
	_ =	sdelay $0x3  }
0x92: {  	_ =	strace s17  }
0x93: {  	s2 =	sld [smem:$0x3FFC];
	_ =	sdelay $0x3  }
0x94: {  	_ =	strace s2  }
0x95: {  	s2 =	sld [smem:$0x3FFD];
	_ =	sdelay $0x3  }
0x96: {  	_ =	strace s2  }
0x97: {  	_ =	strace $0x8FFFFFFF  }
0x98: {  	s18 =	sld [smem:$0x3FDB];
	_ =	sdelay $0x1  }
0x99: {  	s19 =	simm.s32 $_scs_section_size  }
0x9a: {  	s4 =	simm.s32 $_size__tile_overlayer_lowered;
	s5 =	simm.s32 $_tile_overlayer_lowered  }
0x9b: {  	s22 =	simm.s32 $0x1BFF;
	s21 =	sshll.u32 s5, $0x1;
	s2 =	sadd.s32 s19, s18  }
0x9c: {  	s6 =	simm.s32 $0x0;
	s20 =	sshll.u32 s4, $0x1;
	s4 =	sadd.s32 s21, s2  }
0x9d: {  	[timem:s6], [sflag:s22] =	dma.local [hbm:s4], s20  }
0x9e: {  	_ =	swait.ge [sflag:s22], s20  }
0x9f: {  	s3 =	ssub.s32 $0x0, s20;
	[sflag:s22] =	ssyncset.done $0x0  }
0xa0: {  	[sflag:s22] =	ssyncadd.s32 s3;
	_ =	sdelay $0x1  }
0xa1: {  	s23 =	simm.s32 $0x1B8B  }
0xa2: {  	_ =	swait.ge [sflag:s23], $0x1  }
0xa3: {  	[sflag:s23] =	ssyncset.done $0x0  }
0xa4: {  	s25 =	simm.s32 $0x1B8E;
	s24 =	sld [smem:$0x3FFE];
	[sflag:s23] =	ssyncadd.s32 $0xFFFFFFFF  }
0xa5: {  	s26 =	simm.s32 $execute0_lowered;
	[smem:$0x3FD2] =	sst s25  }
0xa6: {  	s4 =	sshll.u32 s26, $0x1;
	_ =	strace $0x80000046;
	[dreg:$0x1] =	wrdreg $0xFFFFFFFF  }
0xa7: {  	s28 =	simm.s32 $_size_execute0_lowered;
	s2 =	sadd.s32 s2, s4;
	[dreg:$0x0] =	wrdreg $0x0  }
0xa8: {  	s4 =	sshll.u32 s28, $0x1;
	[dreg:$0x2] =	wrdreg s2  }
0xa9: {  	[dreg:$0x3] =	wrdreg s4  }
0xaa: {  	[dreg:$0x4] =	wrdreg $0xC0  }
0xab: {  	_ =	task [dreg:s6], $0x5FFFF  }
0xac: {  	[dreg:$0x1] =	wrdreg $0xFFFFFFFF  }
0xad: {  	[dreg:$0x0] =	wrdreg $0x60  }
0xae: {  	[dreg:$0x2] =	wrdreg s24  }
0xaf: {  	[dreg:$0x3] =	wrdreg $0x64000  }
0xb0: {  	[dreg:$0x4] =	wrdreg $0x9  }
0xb1: {  	_ =	task.clear_ibuf [dreg:s6], $0x5FFFF;
	_ =	strace $0x90000046  }
0xb2: {  	s29 =	simm.s32 $0x9;
	_ =	strace $0x80000048  }
0xb3: {  	_ =	swait.ge [sflag:s29], $0x1  }
0xb4: {  	[sflag:s29] =	ssyncadd.s32 $0xFFFFFFFF  }
0xb5: {  	_ =	strace $0x90000048  }
0xb6: {  	_ =	sfence  }
0xb7: {  	s30 =	sld [smem:$0x0];
	_ =	sdelay $0x2  }
0xb8: {  	s31 =	sshll.u32 s1, $0xD;
	s1 =	sshrl.u32 s1, $0x2  }
0xb9: {  	s3 =	sand.u32 $0x4000, s31;
	s1 =	sadd.s32 s1, s30  }
0xba: {  	s0 =	sor.u32 s3, s0;
	s1 =	sshll.u32 s1, $0x11  }
0xbb: {  	s0 =	sor.u32 s1, s0  }
0xbc: {  	s0 =	sadd.s32 $0x8F2B, s0  }
0xbd: {  	[sflag:s0] =	ssyncadd.remote.s32 $0x1  }
0xbe: {  	_ =	sfence.sel $0xFFFF  }
0xbf: {  	[dreg:$0x0] =	wrdreg $0xFFFFFFFF;
	(pc) =	sbr.abs _section_cstart, $3  }
0xc0: {  	[dreg:$0x1] =	wrdreg $0xFFFFFFFF  }
0xc1: {  	_ =	task.clear_ibuf [dreg:s6], $0x2FFFF;
	_ =	strace $0x9FFFFFFF  }
0xc2: {  	(tm) =	ssettm $0x7FFFFFFF  }
0xc3: {  	_ =	shalt  }
tec
execute0_lowered:
.L_overlay_start_1:
0x0: {  	(tag) =	ssettag $0x1  }
0x1: {  	s0 =	srdreg.scid;
	s5 =	rddreg [dreg:$0x0]  }
0x2: {  	s2 =	stileid.u32;
	s1 =	rddreg [dreg:$0x1]  }
0x3: {  	s4 =	simm.s32 $0x0;
	s30 =	simm.s32 $0x6940;
	s16 =	simm.s32 $0x8  }
0x4: {  	s13 =	simm.s32 $0x10940;
	s14 =	simm.s32 $0x12940;
	s15 =	simm.s32 $0x14940  }
0x5: {  	s0 =	sand.u32 $0x1, s0;
	s3 =	sshll.u32 s2, $0x1;
	[smem:$0x7FF] =	sst s4  }
0x6: {  	s4 =	sadd.s32 $0x1A400, s5;
	s9 =	sadd.s32 $0x800, s5;
	s20 =	smul.u32 $0xC8000, s2  }
0x7: {  	s21 =	sadd.s32 $0x2000, s1;
	s23 =	sadd.s32 $0xE00, s1;
	s25 =	smul.u32 $0x640000, s2  }
0x8: {  	s11 =	sadd.s32 $0x2E00, s1;
	_ =	strace $0x80000047;
	[dreg:$0x3] =	wrdreg s9  }
0x9: {  	s26 =	sadd.s32 $0x1C00, s1;
	p0 =	sne.s32 s2, $0x0;
	[dreg:$0x5] =	wrdreg s21  }
0xa: {  	s2 =	simm.s32 $0x8940;
	s6 =	sor.u32 s0, s3;
	[dreg:$0x6] =	wrdreg s23  }
0xb: {  	s8 =	ssub.s32 $0x2, s0;
	s22 =	smul.u32 $0x64000, s0;
	[dreg:$0x7] =	wrdreg s11  }
0xc: {  	s0 =	smul.u32 $0x320000, s0;
	[dreg:$0x8] =	wrdreg s26;
	s26 =	simm.s32 $0x80  }
0xd: {  	s11 =	simm.s32 $0x0;
	s3 =	smul.u32 $0x6400, s6;
	s18 =	sshrl.u32 s8, $0x1  }
0xe: {  	s10 =	smul.u32 $0x320000, s6;
	s6 =	sadd.s32 $0xDDA00, s5;
	s19 =	ssub.s32 s8, s18  }
0xf: {  	s0 =	sadd.s32 s0, s25;
	s8 =	simm.s32 $0xA940;
	s17 =	sshrl.u32 s3, $0x3  }
0x10: {  	s24 =	sshrl.u32 s10, $0x3;
	s28 =	sadd.s32 $0x1FFFF80, s3;
	s0 =	sshrl.u32 s0, $0x3  }
0x11: {  	s7 =	sadd.s32 s17, s5;
	[dreg:$0x9] =	wrdreg s28;
	s5 =	smax.u32 s19, $0x1  }
0x12: {  	s10 =	simm.s32 $0xE940;
	s0 =	sadd.s32 s0, s6;
	[dreg:$0xc] =	wrdreg s5  }
0x13: {  	s9 =	sadd.s32 s6, s24;
	s7 =	sadd.s32 $0x1400, s7;
	[dreg:$0xe] =	wrdreg s0  }
.Ltmp0:
0x14: {  	s29 =	sadd.s32 $0x63000, s9;
	[dreg:$0x4] =	wrdreg s7;
	(pc) =	sbr.rel .LBB2_1-.Ltmp0, $4  }
0x15: {  	s19 =	simm.s32 $0xE;
	s9 =	sadd.s32 $0x63800, s9;
	[dreg:$0xa] =	wrdreg s29  }
0x16: {  	s0 =	sshrl.u32 @!p0 s1, $0x3;
	[dreg:$0xb] =	wrdreg s9;
	s7 =	sadd.s32 s22, s20  }
0x17: {  	s17 =	simm.s32 $0x15;
	[dreg:$0xf] =	wrdreg s0;
	s31 =	sadd.s32 $0x1FFFF000, s7  }
0x18: {  	s5 =	simm.s32 $0x40;
	s9 =	simm.s32 $0xC940;
	[dreg:$0xd] =	wrdreg s31  }
.LBB2_4:
0x19: {  	s0 =	simm.s32 $0xF  }
0x1a: {  	_ =	swait.ge [sflag:s0], $0x2000  }
0x1b: {  	[sflag:s0] =	ssyncset.done $0x0  }
0x1c: {  	s18 =	simm.s32 $0x10;
	s12 =	rddreg [dreg:$0xa];
	[sflag:s0] =	ssyncadd.s32 $0xFFFFE000  }
0x1d: {  	[hbm4b:s12+s5] =	stream.strided.scatter [tilespmem:s28], [sflag:$0x17], $0x2000, s26, s5, $0x38;
	[tilespmem:$0x16940] =	vst v63  }
0x1e: {  	_ =	swait.ge [sflag:s18], $0x2000  }
0x1f: {  	[sflag:s18] =	ssyncset.done $0x0  }
0x20: {  	s21 =	simm.s32 $0x11;
	s20 =	rddreg [dreg:$0xb];
	[sflag:s18] =	ssyncadd.s32 $0xFFFFE000  }
0x21: {  	[hbm4b:s20+s5] =	stream.strided.scatter [tilespmem:s7], [sflag:$0x18], $0x2000, s26, s5, $0x38;
	[tilespmem:$0x16940] =	vst v63  }
0x22: {  	_ =	swait.ge [sflag:s21], $0x2000  }
0x23: {  	[sflag:s21] =	ssyncset.done $0x0  }
0x24: {  	s22 =	simm.s32 $0x12;
	[sflag:s21] =	ssyncadd.s32 $0xFFFFE000  }
0x25: {  	_ =	swait.ge [sflag:s22], $0x2000  }
0x26: {  	[sflag:s22] =	ssyncset.done $0x0  }
0x27: {  	s23 =	simm.s32 $0x13;
	[sflag:s22] =	ssyncadd.s32 $0xFFFFE000  }
0x28: {  	_ =	swait.ge [sflag:s23], $0x2000  }
0x29: {  	[sflag:s23] =	ssyncset.done $0x0  }
0x2a: {  	s24 =	simm.s32 $0x14;
	[sflag:s23] =	ssyncadd.s32 $0xFFFFE000  }
0x2b: {  	_ =	swait.ge [sflag:s24], $0x2000  }
0x2c: {  	[sflag:s24] =	ssyncset.done $0x0  }
0x2d: {  	[sflag:s24] =	ssyncadd.s32 $0xFFFFE000  }
0x2e: {  	_ =	swait.ge [sflag:s17], $0x2000  }
0x2f: {  	[sflag:s17] =	ssyncset.done $0x0  }
0x30: {  	s25 =	simm.s32 $0x16;
	[sflag:s17] =	ssyncadd.s32 $0xFFFFE000  }
0x31: {  	_ =	swait.ge [sflag:s25], $0x2000  }
0x32: {  	[sflag:s25] =	ssyncset.done $0x0  }
0x33: {  	s28 =	simm.s32 $0x17;
	[sflag:s25] =	ssyncadd.s32 $0xFFFFE000  }
0x34: {  	_ =	swait.ge [sflag:s28], $0x2000  }
0x35: {  	[sflag:s28] =	ssyncset.done $0x0  }
0x36: {  	s29 =	simm.s32 $0x18;
	[sflag:s28] =	ssyncadd.s32 $0xFFFFE000  }
0x37: {  	_ =	swait.ge [sflag:s29], $0x2000  }
0x38: {  	s11 =	rddreg [dreg:$0x10]  }
0x39: {  	s31 =	rddreg [dreg:$0xc];
	s11 =	sadd.s32 $0x1, s11  }
0x3a: {  	p1 =	sne.s32 s11, s31  }
.Ltmp1:
0x3b: {  	_ = 	snop;
	(pc) =	sbr.rel @!p1 .LBB2_5-.Ltmp1, $3  }
0x3c: {  	_ =	sdelay $0x1  }
0x3d: {  	[sflag:s29] =	ssyncset.done $0x0  }
0x3e: {  	[sflag:s29] =	ssyncadd.s32 $0xFFFFE000  }
.LBB2_1:
0x3f: {  	[dreg:$0x10] =	wrdreg s11  }
0x40: {  	s0 =	simm.s32 $0x0;
	s7 =	rddreg [dreg:$0x4];
	s24 =	simm.s32 $0x19  }
0x41: {  	[tilespmem:s0], [sflag:$0x19] =	stream.linear.gather [hbm4b:s7+s0], $0x6400, $0x38;
	[tilespmem:$0x16940] =	vst v63  }
0x42: {  	_ =	swait.ge [sflag:s24], $0x6400  }
0x43: {  	[sflag:s24] =	ssyncset.done $0x0;
	s0 =	rddreg [dreg:$0x3]  }
0x44: {  	s7 =	simm.s32 @!p0 $0x1C19;
	s12 =	rddreg [dreg:$0xf];
	[sflag:s24] =	ssyncadd.s32 $0xFFFF9C00  }
0x45: {  	[spmem:s12], [sflag:s7] =	dma.local @!p0 [hbm:s0], $0xA80  }
0x46: {  	s7 =	simm.s32 @!p0 $0x19  }
0x47: {  	_ =	swait.ge @!p0 [sflag:s7], $0xA80  }
0x48: {  	[sflag:s7] =	ssyncset.done @!p0 $0x0  }
0x49: {  	[sflag:s7] =	ssyncadd.s32 @!p0 $0xFFFFF580  }
0x4a: {  	[bflag:$0x0] =	sbarrier.arrive $0xFFFF  }
0x4b: {  	[tilespmem:s30], [sflag:$0x1] =	stream.linear.gather [spmem:s1], $0x2000, $0x38;
	[tilespmem:$0x16940] =	vst v63  }
0x4c: {  	s25 =	rddreg [dreg:$0x5]  }
0x4d: {  	s28 =	rddreg [dreg:$0x6]  }
0x4e: {  	s29 =	rddreg [dreg:$0x7]  }
0x4f: {  	[tilespmem:s2], [sflag:$0x2] =	stream.linear.gather [spmem:s25], $0x2000, $0x38;
	[tilespmem:$0x16940] =	vst v63  }
0x50: {  	s30 =	rddreg [dreg:$0x8]  }
0x51: {  	[tilespmem:s8], [sflag:$0x3] =	stream.linear.gather [spmem:s28], $0x2000, $0x38;
	[tilespmem:$0x16940] =	vst v63  }
0x52: {  	s18 =	simm.s32 $0x7;
	s31 =	simm.s32 $0x0;
	s20 =	rddreg [dreg:$0xe]  }
0x53: {  	[tilespmem:s9], [sflag:$0x4] =	stream.linear.gather [spmem:s29], $0x2000, $0x38;
	[tilespmem:$0x16940] =	vst v63  }
0x54: {  	s11 =	simm.s32 $0xE940;
	s12 =	simm.s32 $0x0;
	s22 =	rddreg [dreg:$0xd]  }
0x55: {  	[tilespmem:s10], [sflag:$0x5] =	stream.linear.gather [spmem:s30], $0x2000, $0x38;
	[tilespmem:$0x16940] =	vst v63  }
.LBB2_2:
0x56: {  	s0 =	simm.s32 $0x1;
	p1 =	seq.s32 s31, $0x0  }
0x57: {  	_ =	swait.ge [sflag:s0], $0x2000;
	s23 =	sadd.s32 @!p1 $0x280, s31  }
0x58: {  	[sflag:s0] =	ssyncset.done $0x0;
	s23 =	simm.s32 @p1 $0x280  }
0x59: {  	s2 =	simm.s32 $0x6940;
	[sflag:s0] =	ssyncadd.s32 $0xFFFFE000;
	s21 =	sand.u32 $0xFFF8, s23  }
0x5a: {  	[tilespmem:s2], [sflag:$0x9] =	stream.indirect.gather.add.f32 [hbm:s4], $0x40, s12, s26, $0xb8;
	[tilespmem:$0x16940] =	vst v63  }
0x5b: {  	s7 =	simm.s32 @!p1 $0xF;
	s21 =	sshrl.u32 s21, $0x3  }
0x5c: {  	_ =	swait.ge @!p1 [sflag:s7], $0x2000;
	s21 =	smul.u32 $0x147B, s21  }
0x5d: {  	s24 =	simm.s32 @!p1 $0x40;
	s25 =	simm.s32 @!p1 $0x80;
	[sflag:s7] =	ssyncset.done @!p1 $0x0  }
0x5e: {  	[sflag:s7] =	ssyncadd.s32 @!p1 $0xFFFFE000;
	s7 =	sand.u32 @!p1 $0x1FFFF000, s22;
	s21 =	sshrl.u32 s21, $0x11  }
0x5f: {  	s28 =	simm.s32 @!p1 $0x12940;
	s7 =	sadd.s32 @!p1 s6, s7;
	s21 =	smul.u32 $0xC8, s21  }
0x60: {  	[hbm4b:s7+s24] =	stream.strided.scatter @!p1 [tilespmem:s28], [sflag:$0x17], $0x2000, s25, s24, $0x38;
	[tilespmem:$0x16940] =	vst v63  }
0x61: {  	s7 =	simm.s32 @!p1 $0x16;
	s21 =	ssub.s32 s23, s21  }
0x62: {  	_ =	swait.ge @!p1 [sflag:s7], $0x2000;
	s21 =	sshll.u32 s21, $0x6  }
0x63: {  	[sflag:s7] =	ssyncset.done @!p1 $0x0;
	s21 =	sand.u32 $0x3FC0, s21  }
0x64: {  	s9 =	simm.s32 $0x2;
	[sflag:s7] =	ssyncadd.s32 @!p1 $0xFFFFE000;
	s8 =	sadd.s32 s21, s1  }
0x65: {  	[tilespmem:s13], [sflag:$0x6] =	stream.linear.gather [spmem:s8], $0x2000, $0x38;
	[tilespmem:$0x16940] =	vst v63  }
0x66: {  	s29 =	sadd.s32 @!p1 $0xFFFFFFFF, s18;
	s21 =	smov.u32 s31;
	_ =	swait.ge [sflag:s9], $0x2000  }
0x67: {  	s7 =	simm.s32 @!p1 $0x10;
	s21 =	simm.s32 @p1 $0x0;
	[sflag:s9] =	ssyncset.done $0x0  }
0x68: {  	s8 =	simm.s32 $0x8940;
	s28 =	sor.u32 $0x80, s21;
	[sflag:s9] =	ssyncadd.s32 $0xFFFFE000  }
0x69: {  	[tilespmem:s8], [sflag:$0xA] =	stream.indirect.gather.add.f32 [hbm:s4], $0x40, s28, s26, $0xb8;
	[tilespmem:$0x16940] =	vst v63  }
0x6a: {  	s29 =	simm.s32 @p1 $0x6;
	_ =	swait.ge @!p1 [sflag:s7], $0x2000  }
0x6b: {  	s10 =	sshll.u32 s29, $0x4;
	s0 =	rddreg [dreg:$0x9]  }
0x6c: {  	s30 =	sadd.s32 @!p1 s21, s0;
	s0 =	sand.u32 $0x1FF0, s10  }
0x6d: {  	[sflag:s7] =	ssyncset.done @!p1 $0x0;
	s30 =	sshll.u32 @!p1 s30, $0x4;
	s0 =	smul.u32 $0x147B, s0  }
0x6e: {  	[sflag:s7] =	ssyncadd.s32 @!p1 $0xFFFFE000;
	s7 =	sand.u32 @!p1 $0x1FFFF800, s30  }
0x6f: {  	s30 =	simm.s32 @!p1 $0x14940;
	s7 =	sadd.s32 @!p1 s6, s7;
	s0 =	sshrl.u32 s0, $0x11  }
0x70: {  	[hbm4b:s7+s24] =	stream.strided.scatter @!p1 [tilespmem:s30], [sflag:$0x18], $0x2000, s25, s24, $0x38;
	[tilespmem:$0x16940] =	vst v63  }
0x71: {  	s0 =	smul.u32 $0xC8, s0  }
0x72: {  	s7 =	sshll.u32 s29, $0x7;
	s24 =	simm.s32 @!p1 $0x17  }
0x73: {  	_ =	swait.ge @!p1 [sflag:s24], $0x2000;
	s0 =	ssub.s32 s7, s0  }
0x74: {  	[sflag:s24] =	ssyncset.done @!p1 $0x0;
	s0 =	sshll.u32 s0, $0x6  }
0x75: {  	[sflag:s24] =	ssyncadd.s32 @!p1 $0xFFFFE000;
	s24 =	sshll.u32 s18, $0x7;
	s0 =	sand.u32 $0x3E00, s0  }
0x76: {  	s9 =	simm.s32 $0x3;
	s10 =	sand.u32 $0xFF80, s24;
	s0 =	sadd.s32 s0, s1  }
0x77: {  	[tilespmem:s14], [sflag:$0x7] =	stream.linear.gather [spmem:s0], $0x2000, $0x38;
	[tilespmem:$0x16940] =	vst v63  }
0x78: {  	s25 =	smul.u32 $0x147B, s10;
	_ =	swait.ge [sflag:s9], $0x2000  }
0x79: {  	s10 =	simm.s32 $0x9;
	s0 =	sor.u32 $0x100, s21;
	[sflag:s9] =	ssyncset.done $0x0  }
0x7a: {  	s25 =	sshrl.u32 s25, $0x14;
	[sflag:s9] =	ssyncadd.s32 $0xFFFFE000;
	s9 =	simm.s32 $0xA940  }
0x7b: {  	[tilespmem:s9], [sflag:$0xB] =	stream.indirect.gather.add.f32 [hbm:s4], $0x40, s0, s26, $0xb8;
	[tilespmem:$0x16940] =	vst v63  }
0x7c: {  	s25 =	smul.u32 $0xC8, s25;
	_ =	swait.ge [sflag:s10], $0x2000  }
0x7d: {  	[sflag:s10] =	ssyncset.done $0x0  }
0x7e: {  	s29 =	simm.s32 @!p1 $0x18;
	s24 =	ssub.s32 s24, s25;
	[sflag:s10] =	ssyncadd.s32 $0xFFFFE000  }
0x7f: {  	[hbm4b:s20+s5] =	stream.strided.scatter [tilespmem:s2], [sflag:$0x11], $0x2000, s26, s5, $0x38;
	[tilespmem:$0x16940] =	vst v63  }
0x80: {  	s24 =	sshll.u32 s24, $0x6;
	_ =	swait.ge @!p1 [sflag:s29], $0x2000  }
0x81: {  	s24 =	sand.u32 $0x3E00, s24;
	[sflag:s29] =	ssyncset.done @!p1 $0x0  }
0x82: {  	s25 =	simm.s32 $0x4;
	s24 =	sadd.s32 s24, s1;
	[sflag:s29] =	ssyncadd.s32 @!p1 $0xFFFFE000  }
0x83: {  	[tilespmem:s15], [sflag:$0x8] =	stream.linear.gather [spmem:s24], $0x2000, $0x38;
	[tilespmem:$0x16940] =	vst v63  }
0x84: {  	_ =	swait.ge [sflag:s25], $0x2000  }
0x85: {  	s10 =	simm.s32 $0xC940;
	p1 =	seq.s32 s31, $0x6000;
	[sflag:s25] =	ssyncset.done $0x0  }
0x86: {  	s24 =	sor.u32 $0x180, s21;
	[sflag:s25] =	ssyncadd.s32 $0xFFFFE000;
	s25 =	sadd.s32 @!p1 $0x400, s21  }
0x87: {  	[tilespmem:s10], [sflag:$0xC] =	stream.indirect.gather.add.f32 [hbm:s4], $0x40, s24, s26, $0xb8;
	[tilespmem:$0x16940] =	vst v63  }
0x88: {  	s29 =	sand.u32 @!p1 $0xFFF8, s25  }
0x89: {  	s28 =	sadd.s32 s3, s28;
	s2 =	simm.s32 $0xA;
	s29 =	sshrl.u32 @!p1 s29, $0x3  }
0x8a: {  	s28 =	sshll.u32 s28, $0x4;
	_ =	swait.ge [sflag:s2], $0x2000;
	s29 =	smul.u32 @!p1 $0x147B, s29  }
0x8b: {  	s28 =	sand.u32 $0x1FFFC800, s28;
	[sflag:s2] =	ssyncset.done $0x0  }
0x8c: {  	s28 =	sadd.s32 s6, s28;
	[sflag:s2] =	ssyncadd.s32 $0xFFFFE000;
	s29 =	sshrl.u32 @!p1 s29, $0x11  }
0x8d: {  	[hbm4b:s28+s5] =	stream.strided.scatter [tilespmem:s8], [sflag:$0x12], $0x2000, s26, s5, $0x38;
	[tilespmem:$0x16940] =	vst v63  }
0x8e: {  	s29 =	smul.u32 @!p1 $0xC8, s29  }
0x8f: {  	s28 =	simm.s32 @!p1 $0x11  }
0x90: {  	_ =	swait.ge @!p1 [sflag:s28], $0x2000;
	s25 =	ssub.s32 @!p1 s25, s29  }
0x91: {  	[sflag:s28] =	ssyncset.done @!p1 $0x0;
	s25 =	sshll.u32 @!p1 s25, $0x6  }
0x92: {  	[sflag:s28] =	ssyncadd.s32 @!p1 $0xFFFFE000;
	s25 =	sand.u32 @!p1 $0x3FC0, s25  }
0x93: {  	s28 =	simm.s32 @!p1 $0x6940;
	s29 =	simm.s32 $0x5;
	s25 =	sadd.s32 @!p1 s25, s1  }
0x94: {  	[tilespmem:s28], [sflag:$0x1] =	stream.linear.gather @!p1 [spmem:s25], $0x2000, $0x38;
	[tilespmem:$0x16940] =	vst v63  }
0x95: {  	_ =	swait.ge [sflag:s29], $0x2000  }
0x96: {  	s28 =	sadd.s32 @!p1 $0x480, s21;
	[sflag:s29] =	ssyncset.done $0x0  }
0x97: {  	s25 =	sor.u32 $0x200, s21;
	[sflag:s29] =	ssyncadd.s32 $0xFFFFE000;
	s29 =	sand.u32 @!p1 $0xFFF8, s28  }
0x98: {  	[tilespmem:s11], [sflag:$0xD] =	stream.indirect.gather.add.f32 [hbm:s4], $0x40, s25, s26, $0xb8;
	[tilespmem:$0x16940] =	vst v63  }
0x99: {  	s29 =	sshrl.u32 @!p1 s29, $0x3  }
0x9a: {  	s0 =	sadd.s32 s3, s0;
	s8 =	simm.s32 $0xB;
	s29 =	smul.u32 @!p1 $0x147B, s29  }
0x9b: {  	s0 =	sshll.u32 s0, $0x4;
	_ =	swait.ge [sflag:s8], $0x2000  }
0x9c: {  	s0 =	sand.u32 $0x1FFFD000, s0;
	[sflag:s8] =	ssyncset.done $0x0;
	s29 =	sshrl.u32 @!p1 s29, $0x11  }
0x9d: {  	s0 =	sadd.s32 s6, s0;
	[sflag:s8] =	ssyncadd.s32 $0xFFFFE000;
	s29 =	smul.u32 @!p1 $0xC8, s29  }
0x9e: {  	[hbm4b:s0+s5] =	stream.strided.scatter [tilespmem:s9], [sflag:$0x13], $0x2000, s26, s5, $0x38;
	[tilespmem:$0x16940] =	vst v63  }
0x9f: {  	s0 =	ssub.s32 @!p1 s28, s29;
	s28 =	simm.s32 @!p1 $0x12  }
0xa0: {  	_ =	swait.ge @!p1 [sflag:s28], $0x2000;
	s0 =	sshll.u32 @!p1 s0, $0x6  }
0xa1: {  	[sflag:s28] =	ssyncset.done @!p1 $0x0;
	s0 =	sand.u32 @!p1 $0x3FC0, s0  }
0xa2: {  	[sflag:s28] =	ssyncadd.s32 @!p1 $0xFFFFE000;
	s0 =	sadd.s32 @!p1 s0, s1;
	s28 =	simm.s32 @!p1 $0x8940  }
0xa3: {  	[tilespmem:s28], [sflag:$0x2] =	stream.linear.gather @!p1 [spmem:s0], $0x2000, $0x38;
	[tilespmem:$0x16940] =	vst v63  }
0xa4: {  	s9 =	simm.s32 $0x6;
	s0 =	sadd.s32 @!p1 $0x500, s21  }
0xa5: {  	_ =	swait.ge [sflag:s9], $0x2000;
	s28 =	sand.u32 @!p1 $0xFFF8, s0  }
0xa6: {  	s24 =	sadd.s32 s3, s24;
	[sflag:s9] =	ssyncset.done $0x0;
	s28 =	sshrl.u32 @!p1 s28, $0x3  }
0xa7: {  	s29 =	simm.s32 $0xC;
	[sflag:s9] =	ssyncadd.s32 $0xFFFFE000;
	s28 =	smul.u32 @!p1 $0x147B, s28  }
0xa8: {  	[tilespmem:s13], [sflag:$0xE] =	stream.indirect.gather.add.f32 [hbm:s4], $0x40, s23, s26, $0xb8;
	[tilespmem:$0x16940] =	vst v63  }
0xa9: {  	s24 =	sshll.u32 s24, $0x4;
	_ =	swait.ge [sflag:s29], $0x2000  }
0xaa: {  	s24 =	sand.u32 $0x1FFFD800, s24;
	s28 =	sshrl.u32 @!p1 s28, $0x11;
	[sflag:s29] =	ssyncset.done $0x0  }
0xab: {  	s24 =	sadd.s32 s6, s24;
	s28 =	smul.u32 @!p1 $0xC8, s28;
	[sflag:s29] =	ssyncadd.s32 $0xFFFFE000  }
0xac: {  	[hbm4b:s24+s5] =	stream.strided.scatter [tilespmem:s10], [sflag:$0x14], $0x2000, s26, s5, $0x38;
	[tilespmem:$0x16940] =	vst v63  }
0xad: {  	s0 =	ssub.s32 @!p1 s0, s28;
	s24 =	simm.s32 @!p1 $0x13  }
0xae: {  	_ =	swait.ge @!p1 [sflag:s24], $0x2000;
	s0 =	sshll.u32 @!p1 s0, $0x6  }
0xaf: {  	[sflag:s24] =	ssyncset.done @!p1 $0x0;
	s0 =	sand.u32 @!p1 $0x3FC0, s0  }
0xb0: {  	[sflag:s24] =	ssyncadd.s32 @!p1 $0xFFFFE000;
	s0 =	sadd.s32 @!p1 s0, s1;
	s24 =	simm.s32 @!p1 $0xA940  }
0xb1: {  	[tilespmem:s24], [sflag:$0x3] =	stream.linear.gather @!p1 [spmem:s0], $0x2000, $0x38;
	[tilespmem:$0x16940] =	vst v63  }
0xb2: {  	s10 =	simm.s32 $0x7;
	s0 =	sadd.s32 @!p1 $0x580, s21  }
0xb3: {  	s24 =	sand.u32 $0x3FFFFF80, s7;
	_ =	swait.ge [sflag:s10], $0x2000;
	s7 =	sand.u32 @!p1 $0xFFF8, s0  }
0xb4: {  	s25 =	sadd.s32 s3, s25;
	[sflag:s10] =	ssyncset.done $0x0;
	s7 =	sshrl.u32 @!p1 s7, $0x3  }
0xb5: {  	s29 =	simm.s32 $0xD;
	[sflag:s10] =	ssyncadd.s32 $0xFFFFE000;
	s7 =	smul.u32 @!p1 $0x147B, s7  }
0xb6: {  	[tilespmem:s14], [sflag:$0xF] =	stream.indirect.gather.add.f32 [hbm:s4], $0x40, s24, s26, $0xb8;
	[tilespmem:$0x16940] =	vst v63  }
0xb7: {  	s24 =	sshll.u32 s25, $0x4;
	_ =	swait.ge [sflag:s29], $0x2000  }
0xb8: {  	s24 =	sand.u32 $0x1FFFE000, s24;
	s7 =	sshrl.u32 @!p1 s7, $0x11;
	[sflag:s29] =	ssyncset.done $0x0  }
0xb9: {  	s24 =	sadd.s32 s6, s24;
	s7 =	smul.u32 @!p1 $0xC8, s7;
	[sflag:s29] =	ssyncadd.s32 $0xFFFFE000  }
0xba: {  	[hbm4b:s24+s5] =	stream.strided.scatter [tilespmem:s11], [sflag:$0x15], $0x2000, s26, s5, $0x38;
	[tilespmem:$0x16940] =	vst v63  }
0xbb: {  	s0 =	ssub.s32 @!p1 s0, s7;
	s7 =	simm.s32 @!p1 $0x14  }
0xbc: {  	_ =	swait.ge @!p1 [sflag:s7], $0x2000;
	s0 =	sshll.u32 @!p1 s0, $0x6  }
0xbd: {  	[sflag:s7] =	ssyncset.done @!p1 $0x0;
	s0 =	sand.u32 @!p1 $0x3FC0, s0  }
0xbe: {  	[sflag:s7] =	ssyncadd.s32 @!p1 $0xFFFFE000;
	s0 =	sadd.s32 @!p1 s0, s1;
	s7 =	simm.s32 @!p1 $0xC940  }
0xbf: {  	[tilespmem:s7], [sflag:$0x4] =	stream.linear.gather @!p1 [spmem:s0], $0x2000, $0x38;
	[tilespmem:$0x16940] =	vst v63  }
0xc0: {  	_ =	swait.ge [sflag:s16], $0x2000  }
0xc1: {  	s30 =	simm.s32 $0x6940;
	s2 =	simm.s32 $0x8940;
	[sflag:s16] =	ssyncset.done $0x0  }
0xc2: {  	s8 =	simm.s32 $0xA940;
	s25 =	sadd.s32 $0x380, s12;
	[sflag:s16] =	ssyncadd.s32 $0xFFFFE000  }
0xc3: {  	[tilespmem:s15], [sflag:$0x10] =	stream.indirect.gather.add.f32 [hbm:s4], $0x40, s25, s26, $0xb8;
	[tilespmem:$0x16940] =	vst v63  }
.Ltmp2:
0xc4: {  	s9 =	simm.s32 $0xC940;
	s29 =	sadd.s32 s3, s23;
	(pc) =	sbr.rel @p1 .LBB2_4-.Ltmp2, $4  }
0xc5: {  	s28 =	simm.s32 $0x12940;
	s0 =	sshll.u32 s29, $0x4;
	_ =	swait.ge [sflag:s19], $0x2000  }
0xc6: {  	s10 =	simm.s32 $0xE940;
	s0 =	sand.u32 $0x1FFFE800, s0;
	[sflag:s19] =	ssyncset.done $0x0  }
0xc7: {  	s7 =	simm.s32 $0x14940;
	s0 =	sadd.s32 s6, s0;
	[sflag:s19] =	ssyncadd.s32 $0xFFFFE000  }
0xc8: {  	[hbm4b:s0+s5] =	stream.strided.scatter [tilespmem:s13], [sflag:$0x16], $0x2000, s26, s5, $0x38;
	[tilespmem:$0x16940] =	vst v63  }
0xc9: {  	s0 =	sadd.s32 $0x600, s21  }
0xca: {  	s7 =	sand.u32 $0xFFF8, s0  }
0xcb: {  	s7 =	sshrl.u32 s7, $0x3  }
0xcc: {  	s7 =	smul.u32 $0x147B, s7;
	_ =	sdelay $0x1  }
0xcd: {  	s7 =	sshrl.u32 s7, $0x11  }
0xce: {  	s7 =	smul.u32 $0xC8, s7  }
0xcf: {  	_ =	swait.ge [sflag:s17], $0x2000;
	s22 =	sadd.s32 $0x4000, s22  }
.Ltmp3:
0xd0: {  	s31 =	sadd.s32 $0x400, s31;
	s0 =	ssub.s32 s0, s7;
	(pc) =	sbr.rel .LBB2_2-.Ltmp3, $4  }
0xd1: {  	s20 =	sadd.s32 $0x4000, s20;
	s12 =	sadd.s32 $0x400, s12;
	s0 =	sshll.u32 s0, $0x6  }
0xd2: {  	s18 =	sadd.s32 $0x8, s18;
	[sflag:s17] =	ssyncset.done $0x0;
	s0 =	sand.u32 $0x3FC0, s0  }
0xd3: {  	s11 =	simm.s32 $0xE940;
	[sflag:s17] =	ssyncadd.s32 $0xFFFFE000;
	s0 =	sadd.s32 s0, s1  }
0xd4: {  	[tilespmem:s10], [sflag:$0x5] =	stream.linear.gather [spmem:s0], $0x2000, $0x38;
	[tilespmem:$0x16940] =	vst v63  }
.LBB2_5:
0xd5: {  	_ =	sfence.sel $0x180000  }
0xd6: {  	[bflag:$0x0] =	sbarrier.arrive $0xFFFF  }
0xd7: {  	_ =	strace $0x90000047  }
0xd8: {  	[bflag:$0x2] =	sbarrier.arrive $0xFFFF  }
0xd9: {  	s0 =	rddreg [dreg:$0x2]  }
0xda: {  	s0 =	sadd.s32 @!p0 $0x100000, s0  }
0xdb: {  	[sflag:s0] =	ssyncadd.tile.s32 @!p0 $0x1;
	_ =	shalt  }
.Lfunc_end2:
_tile_overlayer_lowered:
.L_overlay_start_2:
0xdc: {  	(tag) =	ssettag $0x2  }
0xdd: {  	s0 =	rddreg [dreg:$0x0];
	s2 =	stileid.u32  }
0xde: {  	s1 =	rddreg [dreg:$0x1];
	p0 =	sne.s32 s2, $0x0  }
0xdf: {  	s3 =	rddreg [dreg:$0x2];
	[bflag:$0x3] =	sbarrier.arrive $0xFFFF;
	s2 =	simm.s32 @!p0 $0x1C19  }
0xe0: {  	[timem:s3], [sflag:s2] =	dma.local @!p0 [hbm:s0], s1  }
0xe1: {  	s0 =	simm.s32 @!p0 $0x19  }
0xe2: {  	_ =	swait.ge @!p0 [sflag:s0], s1  }
0xe3: {  	s1 =	ssub.s32 @!p0 $0x0, s1;
	[sflag:s0] =	ssyncset.done @!p0 $0x0  }
0xe4: {  	[sflag:s0] =	ssyncadd.s32 @!p0 s1  }
0xe5: {  	[bflag:$0x3] =	sbarrier.arrive $0xFFFF  }
0xe6: {  	_ =	shalt  }

// kernel: sparse-core-data-format-call.cloned.1.call-start
scs
called_computation_lowered:
.L_overlay_start_0:
0x0: {  	s2 =	sld [smem:$0x3FD9]  }
0x1: {  	s3 =	sld [smem:$0x3FFE];
	_ =	sdelay $0x1  }
0x2: {  	s1 =	srdreg.scid  }
0x3: {  	s0 =	sand.u32 $0x1, s1  }
0x4: {  	s18 =	sshll.u32 s0, $0xA;
	s2 =	sadd.s32 s3, s2  }
0x5: {  	s2 =	sadd.s32 s2, s18  }
0x6: {  	[smem:$0x3FC5] =	sst s2  }
0x7: {  	_ = 	snop  }
0x8: {  	s2 =	sld [smem:$0x3FD0];
	(tm) =	ssettm $0x1  }
0x9: {  	s19 =	sld [smem:$0x3FFB];
	_ =	sdelay $0x3  }
0xa: {  	_ =	strace s19  }
0xb: {  	s3 =	sld [smem:$0x3FFC];
	_ =	sdelay $0x3  }
0xc: {  	_ =	strace s3  }
0xd: {  	s3 =	sld [smem:$0x3FFD];
	_ =	sdelay $0x3  }
0xe: {  	_ =	strace s3  }
0xf: {  	_ =	strace $0x8FFFFFFF  }
0x10: {  	s20 =	sld [smem:$0x3FDB];
	_ =	sdelay $0x1  }
0x11: {  	s4 =	simm.s32 $_scs_section_size  }
0x12: {  	s5 =	simm.s32 $_size__tile_overlayer_lowered;
	s6 =	simm.s32 $_tile_overlayer_lowered  }
0x13: {  	s23 =	simm.s32 $0x1BFF;
	s22 =	sshll.u32 s6, $0x1;
	s3 =	sadd.s32 s4, s20  }
0x14: {  	s7 =	simm.s32 $0x0;
	s21 =	sshll.u32 s5, $0x1;
	s5 =	sadd.s32 s22, s3  }
0x15: {  	[timem:s7], [sflag:s23] =	dma.local [hbm:s5], s21  }
0x16: {  	_ =	swait.ge [sflag:s23], s21  }
0x17: {  	s4 =	ssub.s32 $0x0, s21;
	[sflag:s23] =	ssyncset.done $0x0  }
0x18: {  	[sflag:s23] =	ssyncadd.s32 s4;
	_ =	sdelay $0x1  }
0x19: {  	s24 =	simm.s32 $0x1B8B  }
0x1a: {  	_ =	swait.ge [sflag:s24], $0x1  }
0x1b: {  	[sflag:s24] =	ssyncset.done $0x0  }
0x1c: {  	s26 =	simm.s32 $0x1B8E;
	s25 =	sld [smem:$0x3FFE];
	[sflag:s24] =	ssyncadd.s32 $0xFFFFFFFF  }
0x1d: {  	s27 =	simm.s32 $execute0_lowered;
	[smem:$0x3FD2] =	sst s26  }
0x1e: {  	s5 =	sshll.u32 s27, $0x1;
	_ =	strace $0x80000049;
	[dreg:$0x1] =	wrdreg $0xFFFFFFFF  }
0x1f: {  	s28 =	simm.s32 $_size_execute0_lowered;
	s3 =	sadd.s32 s3, s5;
	[dreg:$0x0] =	wrdreg $0x0  }
0x20: {  	s5 =	sshll.u32 s28, $0x1;
	[dreg:$0x2] =	wrdreg s3  }
0x21: {  	[dreg:$0x3] =	wrdreg s5  }
0x22: {  	[dreg:$0x4] =	wrdreg $0xC0  }
0x23: {  	_ =	task [dreg:s7], $0x5FFFF  }
0x24: {  	[dreg:$0x1] =	wrdreg $0xFFFFFFFF  }
0x25: {  	[dreg:$0x0] =	wrdreg $0x60  }
0x26: {  	[dreg:$0x2] =	wrdreg s25  }
0x27: {  	[dreg:$0x3] =	wrdreg s2  }
0x28: {  	[dreg:$0x4] =	wrdreg $0x9  }
0x29: {  	_ =	task.clear_ibuf [dreg:s7], $0x5FFFF;
	_ =	strace $0x90000049  }
0x2a: {  	s29 =	simm.s32 $0x9;
	_ =	strace $0x8000004B  }
0x2b: {  	_ =	swait.ge [sflag:s29], $0x1  }
0x2c: {  	[sflag:s29] =	ssyncadd.s32 $0xFFFFFFFF  }
0x2d: {  	_ =	strace $0x9000004B  }
0x2e: {  	_ =	sfence  }
0x2f: {  	s30 =	sld [smem:$0x0];
	_ =	sdelay $0x2  }
0x30: {  	s31 =	sshll.u32 s1, $0xD;
	s1 =	sshrl.u32 s1, $0x2  }
0x31: {  	s3 =	sand.u32 $0x4000, s31;
	s1 =	sadd.s32 s1, s30  }
0x32: {  	s0 =	sor.u32 s3, s0;
	s1 =	sshll.u32 s1, $0x11  }
0x33: {  	s0 =	sor.u32 s1, s0  }
0x34: {  	s0 =	sadd.s32 $0x8F2B, s0  }
0x35: {  	[sflag:s0] =	ssyncadd.remote.s32 $0x1  }
0x36: {  	_ =	sfence.sel $0xFFFF  }
0x37: {  	[dreg:$0x0] =	wrdreg $0xFFFFFFFF;
	(pc) =	sbr.abs _section_cstart, $3  }
0x38: {  	[dreg:$0x1] =	wrdreg $0xFFFFFFFF  }
0x39: {  	_ =	task.clear_ibuf [dreg:s7], $0x2FFFF;
	_ =	strace $0x9FFFFFFF  }
0x3a: {  	(tm) =	ssettm $0x7FFFFFFF  }
0x3b: {  	_ =	shalt  }
tec
execute0_lowered:
.L_overlay_start_1:
0x0: {  	(tag) =	ssettag $0x1  }
0x1: {  	s0 =	srdreg.scid  }
0x2: {  	s1 =	sshll.u32 s0, $0x4  }
0x3: {  	s0 =	stileid.u32;
	s1 =	sand.u32 $0x10, s1  }
0x4: {  	s1 =	sor.u32 s0, s1  }
0x5: {  	s6 =	rddreg [dreg:$0x0];
	s4 =	simm.s32 $0x1;
	s2 =	sshll.u32 s1, $0x7  }
0x6: {  	s7 =	simm.s32 $0x2;
	s12 =	simm.s32 $0x0;
	s1 =	ssub.s32 $0x1000, s2  }
0x7: {  	s8 =	simm.s32 $0x8000;
	s13 =	simm.s32 $0x0;
	s3 =	sand.u32 $0xF80, s1  }
0x8: {  	s9 =	simm.s32 $0x0;
	s5 =	sshrl.u32 s1, $0xC;
	p0 =	sne.s32 s3, $0x0  }
.Ltmp0:
0x9: {  	s1 =	rddreg [dreg:$0x2];
	s4 =	simm.s32 @!p0 $0x0;
	(pc) =	sbr.rel .LBB1_1-.Ltmp0, $4  }
0xa: {  	s11 =	simm.s32 $0x0;
	s3 =	rddreg [dreg:$0x1];
	s5 =	sadd.s32 s4, s5  }
0xb: {  	_ =	strace $0x8000004A;
	s4 =	simm.s32 $0x1;
	s5 =	smul.u32 $0xC8, s5  }
0xc: {  	s6 =	sadd.s32 $0xDDA00, s6;
	s10 =	smov.u32 s2;
	[sflag:s4] =	ssyncpa.u1 $0x0  }
0xd: {  	p0 =	por $0x0, $0x0;
	[sflag:s7] =	ssyncpa.u1 $0x0;
	s7 =	sor.u32 $0x1, s5  }
.LBB1_4:
0xe: {  	s16 =	sshll.u32 s13, $0x3;
	s17 =	sand.u32 $0x78, s13  }
0xf: {  	s30 =	sand.u32 $0x7E00, s13;
	s12 =	sshll.u32 s12, $0xF;
	s16 =	sand.u32 $0xC00, s16  }
0x10: {  	[tilespmem:s15+$0x810 ss:$0x81] =	vst.msk $0xffff, v2;
	s31 =	sand.u32 $0x7, s13;
	s16 =	sor.u32 s17, s16;
	s17 =	sadd.s32 s3, s30  }
0x11: {  	[tilespmem:s15+$0x1020 ss:$0x81] =	vst.msk $0xffff, v0;
	s13 =	sshll.u32 s31, $0x12;
	s12 =	sadd.s32 s12, s17;
	s16 =	sshrl.u32 s16, $0x3  }
0x12: {  	[tilespmem:s15+$0x0 ss:$0x81] =	vst.msk $0xffff, v1;
	s13 =	sor.u32 $0x400, s13;
	s12 =	sadd.s32 s16, s12  }
0x13: {  	[hbm4b:s12+s13] =	stream.strided.scatter [tilespmem:s14], [sflag:$0x2], $0x2000, s8, s13, $0x20;
	[tilespmem:$0x8080] =	vst v63  }
.LBB1_5:
0x14: {  	s14 =	sadd.s32 $0x1, s9  }
0x15: {  	s12 =	sadd.s32 $0x1000, s10;
	s16 =	smov.u32 s10;
	p2 =	sgt.s32 s14, $0xC7  }
0x16: {  	s16 =	smov.u32 @p2 s12  }
0x17: {  	s14 =	simm.s32 @p2 $0x0;
	p2 =	sgt.s32 s16, $0xFFF  }
0x18: {  	s16 =	smov.u32 @p2 s2;
	p2 =	sne.s32 s11, s7  }
.Ltmp1:
0x19: {  	p1 =	slt.u32 s11, $0x2;
	(pc) =	sbr.rel @!p2 .LBB1_6-.Ltmp1, $4  }
0x1a: {  	s15 =	simm.s32 @!p1 $0x2  }
0x1b: {  	s13 =	smov.u32 s10;
	p0 =	por !p0, !p0;
	_ =	swait.ge @!p1 [sflag:s15], $0x2000  }
0x1c: {  	s12 =	smov.u32 s9;
	[sflag:s15] =	ssyncset.done @!p1 $0x0;
	s9 =	smov.u32 s14  }
0x1d: {  	s11 =	sadd.s32 $0x1, s11;
	[sflag:s15] =	ssyncadd.s32 @!p1 $0xFFFFE000;
	s10 =	smov.u32 s16  }
.LBB1_1:
0x1e: {  	p1 =	sge.u32 s11, s5  }
0x1f: {  	s14 =	sand.u32 @!p1 $0x1FFFFFF, s9  }
0x20: {  	s15 =	smulhi.u32 @!p1 $0x147AE15, s14;
	_ =	sdelay $0x1  }
0x21: {  	s15 =	smul.u32 @!p1 $0xC8, s15  }
0x22: {  	s16 =	sxor.u32 @!p1 $0xFFFFFFFF, s11;
	s17 =	smul.u32 @!p1 $0xC80, s10  }
0x23: {  	s31 =	sadd.s32 $0xFFFFFFFF, s11;
	s16 =	sshll.u32 @!p1 s16, $0xD;
	s14 =	ssub.s32 @!p1 s14, s15  }
0x24: {  	s15 =	sand.u32 @!p1 $0x2000, s16;
	s16 =	sadd.s32 @!p1 s6, s17;
	s14 =	sshll.u32 @!p1 s14, $0x4  }
0x25: {  	s17 =	simm.s32 @!p1 $0x6400;
	s14 =	sadd.s32 @!p1 s14, s16;
	s16 =	simm.s32 @!p1 $0x40  }
0x26: {  	[tilespmem:s15], [sflag:$0x1] =	stream.strided.gather @!p1 [hbm4b:s14+s16], $0x2000, s17, s16, $0x38;
	[tilespmem:$0x8080] =	vst v63  }
0x27: {  	p1 =	sge.u32 s31, s5  }
.Ltmp2:
0x28: {  	_ = 	snop;
	(pc) =	sbr.rel @p1 .LBB1_5-.Ltmp2, $1  }
0x29: {  	_ =	sdelay $0x3  }
0x2a: {  	s14 =	simm.s32 $0x1  }
0x2b: {  	_ =	swait.ge [sflag:s4], $0x2000;
	s14 =	simm.s32 @!p0 $0x0  }
0x2c: {  	[sflag:s4] =	ssyncset.done $0x0;
	s15 =	sshll.u32 s14, $0xD  }
0x2d: {  	[sflag:s4] =	ssyncadd.s32 $0xFFFFE000;
	s18 =	sor.u32 $0x20, s15  }
0x2e: {  	s14 =	smul.u32 $0x8100, s14;
	v3 =	vld [tilespmem:s18+$0x10]  }
0x2f: {  	s30 =	sand.u32 $0x1, s11;
	v2 =	vld [tilespmem:s18+$0xFFFFFFF0]  }
0x30: {  	s15 =	smul.u32 $0x8100, s30;
	s14 =	sshrl.u32 s14, $0x2;
	v0 =	vld [tilespmem:s18+$0x0]  }
0x31: {  	v1 =	vld [tilespmem:s18+$0xFFFFFFE0];
	s16 =	sor.u32 $0x4000, s14  }
0x32: {  	s31 =	sshrl.u32 s15, $0x2;
	s15 =	sadd.s32 $0x0, s16  }
0x33: {  	s17 =	simm.s32 $0x4;
	s18 =	sadd.s32 $0x40, s18;
	s14 =	sor.u32 $0x4000, s31;
	[tilespmem:s15+$0x1830 ss:$0x81] =	vst.msk $0xffff, v3  }
.LBB1_3:
0x34: {  	v3 =	vld [tilespmem:s18+$0x10];
	p1 =	sne.s32 s17, $0x1FC;
	[tilespmem:s15+$0x810 ss:$0x81] =	vst.msk $0xffff, v2;
	s19 =	smov.u32 s17;
	s17 =	sadd.s32 $0x4, s17  }
.Ltmp3:
0x35: {  	v2 =	vld [tilespmem:s18+$0xFFFFFFF0];
	[tilespmem:s15+$0x1020 ss:$0x81] =	vst.msk $0xffff, v0;
	(pc) =	sbr.rel @p1 .LBB1_3-.Ltmp3, $4  }
0x36: {  	v0 =	vld [tilespmem:s18+$0x0];
	[tilespmem:s15+$0x0 ss:$0x81] =	vst.msk $0xffff, v1  }
0x37: {  	s15 =	sshra.s32 s19, $0x2;
	v1 =	vld [tilespmem:s18+$0xFFFFFFE0]  }
0x38: {  	s15 =	sadd.s32 s15, s16  }
0x39: {  	s18 =	sadd.s32 $0x40, s18;
	[tilespmem:s15+$0x1830 ss:$0x81] =	vst.msk $0xffff, v3  }
.Ltmp4:
0x3a: {  	_ = 	snop;
	(pc) =	sbr.rel .LBB1_4-.Ltmp4, $1  }
0x3b: {  	_ =	sdelay $0x3  }
.LBB1_6:
0x3c: {  	_ =	sfence.sel $0x180000  }
0x3d: {  	s2 =	simm.s32 $0x1;
	[bflag:$0x0] =	sbarrier.arrive $0xFFFF  }
0x3e: {  	s31 =	simm.s32 $0x2;
	[sflag:s2] =	ssyncpa.u1 $0x1  }
0x3f: {  	[sflag:s31] =	ssyncpa.u1 $0x1  }
0x40: {  	p0 =	sne.s32 s0, $0x0;
	_ =	strace $0x9000004A  }
0x41: {  	s0 =	sadd.s32 @!p0 $0x100000, s1;
	[bflag:$0x2] =	sbarrier.arrive $0xFFFF  }
0x42: {  	[sflag:s0] =	ssyncadd.tile.s32 @!p0 $0x1;
	_ =	shalt  }
.Lfunc_end1:
_tile_overlayer_lowered:
.L_overlay_start_2:
0x43: {  	(tag) =	ssettag $0x2  }
0x44: {  	s0 =	rddreg [dreg:$0x0];
	s2 =	stileid.u32  }
0x45: {  	s1 =	rddreg [dreg:$0x1];
	p0 =	sne.s32 s2, $0x0  }
0x46: {  	s3 =	rddreg [dreg:$0x2];
	[bflag:$0x3] =	sbarrier.arrive $0xFFFF;
	s2 =	simm.s32 @!p0 $0x1C01  }
0x47: {  	[timem:s3], [sflag:s2] =	dma.local @!p0 [hbm:s0], s1  }
0x48: {  	s0 =	simm.s32 @!p0 $0x1  }
0x49: {  	_ =	swait.ge @!p0 [sflag:s0], s1  }
0x4a: {  	s1 =	ssub.s32 @!p0 $0x0, s1;
	[sflag:s0] =	ssyncset.done @!p0 $0x0  }
0x4b: {  	[sflag:s0] =	ssyncadd.s32 @!p0 s1  }
0x4c: {  	[bflag:$0x3] =	sbarrier.arrive $0xFFFF  }
0x4d: {  	_ =	shalt  }

</sc_bundles>
